<compile_context>
chip_gen: v7x
topology: tpu7x:2x2x1
jax: 0.10.2.dev20260603
libtpu: 0.0.44.dev20260713+nightly
codegen_flags: <defaults>
</compile_context>

<pallas_src>
import functools

import jax
import jax.numpy as jnp
from jax import lax
from jax.experimental import pallas as pl
from jax.experimental.pallas import tpu as pltpu
from jax.experimental.pallas import tpu_sc as plsc

_L = 16
_NW = 32
_C = 128
_DIMS = (32, 64, 128)
_NB = 3


def kernel(x, weights, table):
    B, F = x.shape
    V, D = table.shape
    n_total = B * F
    per_w = n_total // _NW
    n_chunks = per_w // _C
    chunks_per_f = B // _C
    assert n_total % _NW == 0 and per_w % _C == 0 and B % _C == 0 and D % _L == 0
    assert chunks_per_f & (chunks_per_f - 1) == 0
    assert n_chunks >= 2 * _NB and D == max(_DIMS)

    x_split = x.T.reshape(_NW, n_chunks, 1, _C)
    w_pad = jnp.zeros((_L,), jnp.float32).at[: weights.shape[0]].set(weights)

    mesh = plsc.VectorSubcoreMesh(core_axis_name="c", subcore_axis_name="s")

    @functools.partial(
        pl.kernel,
        mesh=mesh,
        out_type=jax.ShapeDtypeStruct((F, B, D), jnp.float32),
        scratch_types=[
            pltpu.VMEM((n_chunks, 1, _C), jnp.int32),
            pltpu.VMEM((_L,), jnp.float32),
            pltpu.VMEM((_NB, _C, D), jnp.float32),
            pltpu.VMEM((_NB, _C, D), jnp.float32),
            pltpu.SemaphoreType.DMA,
            pltpu.SemaphoreType.DMA,
            pltpu.SemaphoreType.DMA,
            pltpu.SemaphoreType.DMA,
            pltpu.SemaphoreType.DMA,
            pltpu.SemaphoreType.DMA,
        ],
    )
    def run(x_hbm, w_hbm, table_hbm, out_hbm, idx_v, w_v, gbuf, obuf, *sems):
        gsem = sems[:_NB]
        wsem = sems[_NB:]
        wid = lax.axis_index("s") * 2 + lax.axis_index("c")
        chunk0 = wid * n_chunks

        pltpu.sync_copy(w_hbm, w_v)
        pltpu.sync_copy(x_hbm.at[wid], idx_v)

        ones = jnp.ones((_L,), jnp.float32)
        w_vec = w_v[...]
        w_bcast = [w_vec[i] * ones for i in range(len(_DIMS))]
        scales = [
            sum(w_bcast[i] for i, dim in enumerate(_DIMS) if jc * _L < dim)
            for jc in range(D // _L)
        ]

        def gather(j, p):
            return pltpu.async_copy(table_hbm.at[idx_v.at[j, 0]], gbuf.at[p], gsem[p])

        def write(j, p):
            c = chunk0 + j
            f = c // chunks_per_f
            b0 = (c % chunks_per_f) * _C
            return pltpu.async_copy(obuf.at[p], out_hbm.at[f, pl.ds(b0, _C)], wsem[p])

        def scale(p):
            @plsc.parallel_loop(0, _C, 1, unroll=4)
            def _(i):
                for jc in range(D // _L):
                    sl = pl.ds(jc * _L, _L)
                    obuf[p, i, sl] = gbuf[p, i, sl] * scales[jc]

        def wait_g(p):
            pltpu.make_async_copy(table_hbm.at[idx_v.at[0, 0]], gbuf.at[p], gsem[p]).wait()

        def wait_w(p):
            pltpu.make_async_copy(obuf.at[p], out_hbm.at[0, pl.ds(0, _C)], wsem[p]).wait()

        for p in range(_NB):
            gather(p, p)

        def body(t, _):
            j = _NB * t
            for p in range(_NB):
                jq = j + p

                @pl.when(jq < n_chunks)
                def _():
                    wait_g(p)

                    @pl.when(jq >= _NB)
                    def _():
                        wait_w(p)

                    scale(p)

                    @pl.when(jq + _NB < n_chunks)
                    def _():
                        gather(jq + _NB, p)

                    write(jq, p)

            return 0

        lax.fori_loop(0, (n_chunks + _NB - 1) // _NB, body, 0)
        for p in range(_NB):
            wait_w(p)

    out_t = run(x_split, w_pad, table)
    return jnp.transpose(out_t, (1, 0, 2))

# --- scband reference (transcript-rebuilt; emitter-appended) ---
"""Pipeline reference for scband-mixed-embedding-v2-41429254537402 (READ-ONLY COPY).

The authoritative reference and input builder live on the scoring server;
editing this copy changes nothing except your own understanding.
"""

import jax, jax.numpy as jnp
import numpy as np

EMBED_DIM_LIST = (32, 64, 128)
MAX_EMBED_DIM = 128
NUM_EMBEDDINGS = 100000
BATCH = 4096
N_FIELDS = 26


def setup_inputs(seed: int = 0) -> dict:
    key = jax.random.key(seed)
    k1, k2, k3 = jax.random.split(key, 3)
    x = jax.random.randint(k1, (BATCH, N_FIELDS), 0, NUM_EMBEDDINGS, dtype=jnp.int32)
    weights = jax.random.uniform(k2, (len(EMBED_DIM_LIST),), dtype=jnp.float32)
    table = jax.random.normal(k3, (NUM_EMBEDDINGS, MAX_EMBED_DIM), dtype=jnp.float32) * 0.02
    return {"x": x, "weights": weights, "table": table}


def reference(x, weights, table):
    # use_argmax=False branch of MixedEmbeddingV2.forward
    # mixture over truncated-and-padded views of the shared embedding table
    embedding_mixture = jnp.zeros_like(table)
    for i, embed_dim in enumerate(EMBED_DIM_LIST):
        emb_weight = table[:, :embed_dim]  # sample_weights_and_bias
        emb_weight_scaled = weights[i] * emb_weight
        emb_weight_padded = jnp.pad(
            emb_weight_scaled, ((0, 0), (0, MAX_EMBED_DIM - embed_dim)),
            mode="constant", constant_values=0.0)
        embedding_mixture = embedding_mixture + emb_weight_padded
    # F.embedding(x, embedding_mixture) -> gather rows
    out = jnp.take(embedding_mixture, x, axis=0)
    return out

if __name__ == "__main__":
    import jax
    _d = setup_inputs()
    print(jax.jit(kernel)(*tuple(_d.values())))

</pallas_src>

<mosaic_0001>
#map = affine_map<(d0, d1) -> (0, 0, 0, 0)>
#map1 = affine_map<(d0, d1) -> (0)>
#map2 = affine_map<(d0, d1) -> (0, 0)>
#map3 = affine_map<(d0, d1) -> (0, 0, 0)>
module attributes {stable_mosaic.version = 14 : i64} {
  func.func @run(%arg0: i32, %arg1: i32, %arg2: memref<32x26x1x128xi32, #tpu.memory_space<hbm>>, %arg3: memref<16xf32, #tpu.memory_space<hbm>>, %arg4: memref<100000x128xf32, #tpu.memory_space<hbm>>, %arg5: memref<26x4096x128xf32, #tpu.memory_space<hbm>>, %arg6: memref<26x1x128xi32, #tpu.memory_space<vmem>>, %arg7: memref<16xf32, #tpu.memory_space<vmem>>, %arg8: memref<3x128x128xf32, #tpu.memory_space<vmem>>, %arg9: memref<3x128x128xf32, #tpu.memory_space<vmem>>, %arg10: memref<!tpu.dma_semaphore, #tpu.memory_space<semaphore_mem>>, %arg11: memref<!tpu.dma_semaphore, #tpu.memory_space<semaphore_mem>>, %arg12: memref<!tpu.dma_semaphore, #tpu.memory_space<semaphore_mem>>, %arg13: memref<!tpu.dma_semaphore, #tpu.memory_space<semaphore_mem>>, %arg14: memref<!tpu.dma_semaphore, #tpu.memory_space<semaphore_mem>>, %arg15: memref<!tpu.dma_semaphore, #tpu.memory_space<semaphore_mem>>) attributes {dimension_semantics = [#tpu.dimension_semantics<core_parallel>, #tpu.dimension_semantics<subcore_parallel>], iteration_bounds = array<i64: 2, 16>, scalar_prefetch = 0 : i64, scratch_operands = 10 : i64, tpu.core_type = #tpu.core_type<sc_vector_subcore>, window_params = [{transform_indices = #map}, {transform_indices = #map1}, {transform_indices = #map2}, {transform_indices = #map3}]} {
    %mul3A = arith.constant 2 : i32
    %mul3A_0 = arith.muli %arg1, %mul3A : i32
    %add3A = arith.addi %mul3A_0, %arg0 : i32
    %mul3A_1 = arith.constant 26 : i32
    %mul3A_2 = arith.muli %add3A, %mul3A_1 : i32
    "tpu.region"() ({
      %run_scoped3A = tpu.sem_alloc : memref<!tpu.dma_semaphore, #tpu.memory_space<semaphore_mem>>
      tpu.enqueue_dma source(%arg3 : memref<16xf32, #tpu.memory_space<hbm>>) target(%arg7 : memref<16xf32, #tpu.memory_space<vmem>>) target_semaphore(%run_scoped3A : memref<!tpu.dma_semaphore, #tpu.memory_space<semaphore_mem>>)
      tpu.wait_dma2 semaphore(%run_scoped3A : memref<!tpu.dma_semaphore, #tpu.memory_space<semaphore_mem>>) src(%arg3 : memref<16xf32, #tpu.memory_space<hbm>>) dst(%arg7 : memref<16xf32, #tpu.memory_space<vmem>>)
      tpu.yield
    }) : () -> ()
    "tpu.region"() ({
      %run_scoped3A = tpu.sem_alloc : memref<!tpu.dma_semaphore, #tpu.memory_space<semaphore_mem>>
      %dma_start3A_143 = arith.constant 0 : i32
      %dma_start3A_144 = arith.constant 0 : i32
      %dma_start3A_145 = arith.constant 0 : i32
      %dma_start3A_146 = tpu.memref_slice %arg2[%add3A, %dma_start3A_143, %dma_start3A_144, %dma_start3A_145] : memref<32x26x1x128xi32, #tpu.memory_space<hbm>> -> memref<1x26x1x128xi32, #tpu.memory_space<hbm>>
      %dma_start3A_147 = tpu.memref_squeeze %dma_start3A_146 : memref<1x26x1x128xi32, #tpu.memory_space<hbm>> -> memref<26x1x128xi32, #tpu.memory_space<hbm>>
      %dma_start3A_148 = arith.constant 0 : i32
      %dma_start3A_149 = arith.constant 0 : i32
      %dma_start3A_150 = arith.constant 0 : i32
      %dma_start3A_151 = tpu.memref_slice %arg2[%add3A, %dma_start3A_148, %dma_start3A_149, %dma_start3A_150] : memref<32x26x1x128xi32, #tpu.memory_space<hbm>> -> memref<1x26x1x128xi32, #tpu.memory_space<hbm>>
      %dma_start3A_152 = tpu.memref_squeeze %dma_start3A_151 : memref<1x26x1x128xi32, #tpu.memory_space<hbm>> -> memref<26x1x128xi32, #tpu.memory_space<hbm>>
      tpu.enqueue_dma source(%dma_start3A_152 : memref<26x1x128xi32, #tpu.memory_space<hbm>>) target(%arg6 : memref<26x1x128xi32, #tpu.memory_space<vmem>>) target_semaphore(%run_scoped3A : memref<!tpu.dma_semaphore, #tpu.memory_space<semaphore_mem>>)
      %dma_wait3A_153 = arith.constant 0 : i32
      %dma_wait3A_154 = arith.constant 0 : i32
      %dma_wait3A_155 = arith.constant 0 : i32
      %dma_wait3A_156 = tpu.memref_slice %arg2[%add3A, %dma_wait3A_153, %dma_wait3A_154, %dma_wait3A_155] : memref<32x26x1x128xi32, #tpu.memory_space<hbm>> -> memref<1x26x1x128xi32, #tpu.memory_space<hbm>>
      %dma_wait3A_157 = tpu.memref_squeeze %dma_wait3A_156 : memref<1x26x1x128xi32, #tpu.memory_space<hbm>> -> memref<26x1x128xi32, #tpu.memory_space<hbm>>
      %dma_wait3A_158 = arith.constant 0 : i32
      %dma_wait3A_159 = arith.constant 0 : i32
      %dma_wait3A_160 = arith.constant 0 : i32
      %dma_wait3A_161 = tpu.memref_slice %arg2[%add3A, %dma_wait3A_158, %dma_wait3A_159, %dma_wait3A_160] : memref<32x26x1x128xi32, #tpu.memory_space<hbm>> -> memref<1x26x1x128xi32, #tpu.memory_space<hbm>>
      %dma_wait3A_162 = tpu.memref_squeeze %dma_wait3A_161 : memref<1x26x1x128xi32, #tpu.memory_space<hbm>> -> memref<26x1x128xi32, #tpu.memory_space<hbm>>
      tpu.wait_dma2 semaphore(%run_scoped3A : memref<!tpu.dma_semaphore, #tpu.memory_space<semaphore_mem>>) src(%dma_wait3A_162 : memref<26x1x128xi32, #tpu.memory_space<hbm>>) dst(%arg6 : memref<26x1x128xi32, #tpu.memory_space<vmem>>)
      tpu.yield
    }) : () -> ()
    %broadcast_in_dim3A = arith.constant 1.000000e+00 : f32
    %broadcast_in_dim3A_3 = vector.broadcast %broadcast_in_dim3A : f32 to vector<16xf32>
    %get3A = arith.constant 0 : index
    %get3A_4 = tpu.vector_load %arg7[%get3A] {strides = array<i32>} : memref<16xf32, #tpu.memory_space<vmem>>, vector<16xf32>,
    %get3A_5 = vector.shape_cast %get3A_4 : vector<16xf32> to vector<16xf32>
    %slice3A = vector.extract_strided_slice %get3A_5 {offsets = [0], sizes = [1], strides = [1]} : vector<16xf32> to vector<1xf32>
    %squeeze3A = vector.extract %slice3A[0] : f32 from vector<1xf32>
    %mul3A_6 = vector.broadcast %squeeze3A : f32 to vector<16xf32>
    %mul3A_7 = arith.mulf %mul3A_6, %broadcast_in_dim3A_3 : vector<16xf32>
    %slice3A_8 = vector.extract_strided_slice %get3A_5 {offsets = [1], sizes = [1], strides = [1]} : vector<16xf32> to vector<1xf32>
    %squeeze3A_9 = vector.extract %slice3A_8[0] : f32 from vector<1xf32>
    %mul3A_10 = vector.broadcast %squeeze3A_9 : f32 to vector<16xf32>
    %mul3A_11 = arith.mulf %mul3A_10, %broadcast_in_dim3A_3 : vector<16xf32>
    %slice3A_12 = vector.extract_strided_slice %get3A_5 {offsets = [2], sizes = [1], strides = [1]} : vector<16xf32> to vector<1xf32>
    %squeeze3A_13 = vector.extract %slice3A_12[0] : f32 from vector<1xf32>
    %mul3A_14 = vector.broadcast %squeeze3A_13 : f32 to vector<16xf32>
    %mul3A_15 = arith.mulf %mul3A_14, %broadcast_in_dim3A_3 : vector<16xf32>
    %add3A_16 = arith.constant 0.000000e+00 : f32
    %add3A_17 = vector.broadcast %add3A_16 : f32 to vector<16xf32>
    %add3A_18 = arith.addf %add3A_17, %mul3A_7 : vector<16xf32>
    %add3A_19 = arith.addf %add3A_18, %mul3A_11 : vector<16xf32>
    %add3A_20 = arith.addf %add3A_19, %mul3A_15 : vector<16xf32>
    %add3A_21 = arith.constant 0.000000e+00 : f32
    %add3A_22 = vector.broadcast %add3A_21 : f32 to vector<16xf32>
    %add3A_23 = arith.addf %add3A_22, %mul3A_7 : vector<16xf32>
    %add3A_24 = arith.addf %add3A_23, %mul3A_11 : vector<16xf32>
    %add3A_25 = arith.addf %add3A_24, %mul3A_15 : vector<16xf32>
    %add3A_26 = arith.constant 0.000000e+00 : f32
    %add3A_27 = vector.broadcast %add3A_26 : f32 to vector<16xf32>
    %add3A_28 = arith.addf %add3A_27, %mul3A_11 : vector<16xf32>
    %add3A_29 = arith.addf %add3A_28, %mul3A_15 : vector<16xf32>
    %add3A_30 = arith.constant 0.000000e+00 : f32
    %add3A_31 = vector.broadcast %add3A_30 : f32 to vector<16xf32>
    %add3A_32 = arith.addf %add3A_31, %mul3A_11 : vector<16xf32>
    %add3A_33 = arith.addf %add3A_32, %mul3A_15 : vector<16xf32>
    %add3A_34 = arith.constant 0.000000e+00 : f32
    %add3A_35 = vector.broadcast %add3A_34 : f32 to vector<16xf32>
    %add3A_36 = arith.addf %add3A_35, %mul3A_15 : vector<16xf32>
    %add3A_37 = arith.constant 0.000000e+00 : f32
    %add3A_38 = vector.broadcast %add3A_37 : f32 to vector<16xf32>
    %add3A_39 = arith.addf %add3A_38, %mul3A_15 : vector<16xf32>
    %add3A_40 = arith.constant 0.000000e+00 : f32
    %add3A_41 = vector.broadcast %add3A_40 : f32 to vector<16xf32>
    %add3A_42 = arith.addf %add3A_41, %mul3A_15 : vector<16xf32>
    %add3A_43 = arith.constant 0.000000e+00 : f32
    %add3A_44 = vector.broadcast %add3A_43 : f32 to vector<16xf32>
    %add3A_45 = arith.addf %add3A_44, %mul3A_15 : vector<16xf32>
    %dma_start3A = arith.constant 0 : i32
    %dma_start3A_46 = arith.constant 0 : i32
    %dma_start3A_47 = arith.constant 0 : i32
    %dma_start3A_48 = arith.constant 0 : i32
    %dma_start3A_49 = arith.constant 0 : i32
    %dma_start3A_50 = tpu.memref_slice %arg8[%dma_start3A_47, %dma_start3A_48, %dma_start3A_49] : memref<3x128x128xf32, #tpu.memory_space<vmem>> -> memref<1x128x128xf32, #tpu.memory_space<vmem>>
    %dma_start3A_51 = tpu.memref_squeeze %dma_start3A_50 : memref<1x128x128xf32, #tpu.memory_space<vmem>> -> memref<128x128xf32, #tpu.memory_space<vmem>>
    %dma_start3A_52 = arith.constant 0 : i32
    %dma_start3A_53 = tpu.memref_slice %arg6[%dma_start3A, %dma_start3A_46, %dma_start3A_52] : memref<26x1x128xi32, #tpu.memory_space<vmem>> -> memref<1x1x128xi32, #tpu.memory_space<vmem>>
    %dma_start3A_54 = tpu.memref_squeeze %dma_start3A_53 : memref<1x1x128xi32, #tpu.memory_space<vmem>> -> memref<128xi32, #tpu.memory_space<vmem>>
    %dma_start3A_55 = arith.constant 0 : i32
    %dma_start3A_56 = arith.constant 0 : i32
    %dma_start3A_57 = tpu.memref_slice %arg4[%dma_start3A_55, %dma_start3A_56] : memref<100000x128xf32, #tpu.memory_space<hbm>> -> memref<100000x128xf32, #tpu.memory_space<hbm>>
    tpu.enqueue_indirect_dma source(%dma_start3A_57 : memref<100000x128xf32, #tpu.memory_space<hbm>>) target(%dma_start3A_51 : memref<128x128xf32, #tpu.memory_space<vmem>>) offsets(%dma_start3A_54 : memref<128xi32, #tpu.memory_space<vmem>>) semaphore(%arg10 : memref<!tpu.dma_semaphore, #tpu.memory_space<semaphore_mem>>)
    %dma_start3A_58 = arith.constant 1 : i32
    %dma_start3A_59 = arith.constant 0 : i32
    %dma_start3A_60 = arith.constant 1 : i32
    %dma_start3A_61 = arith.constant 0 : i32
    %dma_start3A_62 = arith.constant 0 : i32
    %dma_start3A_63 = tpu.memref_slice %arg8[%dma_start3A_60, %dma_start3A_61, %dma_start3A_62] : memref<3x128x128xf32, #tpu.memory_space<vmem>> -> memref<1x128x128xf32, #tpu.memory_space<vmem>>
    %dma_start3A_64 = tpu.memref_squeeze %dma_start3A_63 : memref<1x128x128xf32, #tpu.memory_space<vmem>> -> memref<128x128xf32, #tpu.memory_space<vmem>>
    %dma_start3A_65 = arith.constant 0 : i32
    %dma_start3A_66 = tpu.memref_slice %arg6[%dma_start3A_58, %dma_start3A_59, %dma_start3A_65] : memref<26x1x128xi32, #tpu.memory_space<vmem>> -> memref<1x1x128xi32, #tpu.memory_space<vmem>>
    %dma_start3A_67 = tpu.memref_squeeze %dma_start3A_66 : memref<1x1x128xi32, #tpu.memory_space<vmem>> -> memref<128xi32, #tpu.memory_space<vmem>>
    %dma_start3A_68 = arith.constant 0 : i32
    %dma_start3A_69 = arith.constant 0 : i32
    %dma_start3A_70 = tpu.memref_slice %arg4[%dma_start3A_68, %dma_start3A_69] : memref<100000x128xf32, #tpu.memory_space<hbm>> -> memref<100000x128xf32, #tpu.memory_space<hbm>>
    tpu.enqueue_indirect_dma source(%dma_start3A_70 : memref<100000x128xf32, #tpu.memory_space<hbm>>) target(%dma_start3A_64 : memref<128x128xf32, #tpu.memory_space<vmem>>) offsets(%dma_start3A_67 : memref<128xi32, #tpu.memory_space<vmem>>) semaphore(%arg11 : memref<!tpu.dma_semaphore, #tpu.memory_space<semaphore_mem>>)
    %dma_start3A_71 = arith.constant 2 : i32
    %dma_start3A_72 = arith.constant 0 : i32
    %dma_start3A_73 = arith.constant 2 : i32
    %dma_start3A_74 = arith.constant 0 : i32
    %dma_start3A_75 = arith.constant 0 : i32
    %dma_start3A_76 = tpu.memref_slice %arg8[%dma_start3A_73, %dma_start3A_74, %dma_start3A_75] : memref<3x128x128xf32, #tpu.memory_space<vmem>> -> memref<1x128x128xf32, #tpu.memory_space<vmem>>
    %dma_start3A_77 = tpu.memref_squeeze %dma_start3A_76 : memref<1x128x128xf32, #tpu.memory_space<vmem>> -> memref<128x128xf32, #tpu.memory_space<vmem>>
    %dma_start3A_78 = arith.constant 0 : i32
    %dma_start3A_79 = tpu.memref_slice %arg6[%dma_start3A_71, %dma_start3A_72, %dma_start3A_78] : memref<26x1x128xi32, #tpu.memory_space<vmem>> -> memref<1x1x128xi32, #tpu.memory_space<vmem>>
    %dma_start3A_80 = tpu.memref_squeeze %dma_start3A_79 : memref<1x1x128xi32, #tpu.memory_space<vmem>> -> memref<128xi32, #tpu.memory_space<vmem>>
    %dma_start3A_81 = arith.constant 0 : i32
    %dma_start3A_82 = arith.constant 0 : i32
    %dma_start3A_83 = tpu.memref_slice %arg4[%dma_start3A_81, %dma_start3A_82] : memref<100000x128xf32, #tpu.memory_space<hbm>> -> memref<100000x128xf32, #tpu.memory_space<hbm>>
    tpu.enqueue_indirect_dma source(%dma_start3A_83 : memref<100000x128xf32, #tpu.memory_space<hbm>>) target(%dma_start3A_77 : memref<128x128xf32, #tpu.memory_space<vmem>>) offsets(%dma_start3A_80 : memref<128xi32, #tpu.memory_space<vmem>>) semaphore(%arg12 : memref<!tpu.dma_semaphore, #tpu.memory_space<semaphore_mem>>)
    %scan3A = arith.constant 0 : i32
    %scan3A_84 = arith.constant 0 : i32
    %scan3A_85 = arith.constant 9 : i32
    %scan3A_86 = arith.addi %scan3A_84, %scan3A_85 : i32
    %scan3A_87 = arith.constant 1 : i32
    %scan3A_88 = scf.for %scan3A_143 = %scan3A_84 to %scan3A_86 step %scan3A_87 iter_args(%scan3A_144 = %scan3A) -> (i32)  : i32 {
      %mul3A_145 = arith.constant 3 : i32
      %mul3A_146 = arith.muli %mul3A_145, %scan3A_143 : i32
      %add3A_147 = arith.constant 0 : i32
      %add3A_148 = arith.addi %mul3A_146, %add3A_147 : i32
      %lt3A = arith.constant 26 : i32
      %lt3A_149 = arith.cmpi slt, %add3A_148, %lt3A : i32
      %convert_element_type3A = arith.extui %lt3A_149 : i1 to i32
      %cond3A = arith.constant 0 : i32
      %cond3A_150 = arith.cmpi ne, %convert_element_type3A, %cond3A : i32
      scf.if %cond3A_150 {
        %dma_wait3A_166 = arith.constant 0 : i32
        %dma_wait3A_167 = arith.constant 0 : i32
        %dma_wait3A_168 = arith.constant 0 : i32
        %dma_wait3A_169 = arith.constant 0 : i32
        %dma_wait3A_170 = arith.constant 0 : i32
        %dma_wait3A_171 = tpu.memref_slice %arg8[%dma_wait3A_168, %dma_wait3A_169, %dma_wait3A_170] : memref<3x128x128xf32, #tpu.memory_space<vmem>> -> memref<1x128x128xf32, #tpu.memory_space<vmem>>
        %dma_wait3A_172 = tpu.memref_squeeze %dma_wait3A_171 : memref<1x128x128xf32, #tpu.memory_space<vmem>> -> memref<128x128xf32, #tpu.memory_space<vmem>>
        %dma_wait3A_173 = arith.constant 0 : i32
        %dma_wait3A_174 = tpu.memref_slice %arg6[%dma_wait3A_166, %dma_wait3A_167, %dma_wait3A_173] : memref<26x1x128xi32, #tpu.memory_space<vmem>> -> memref<1x1x128xi32, #tpu.memory_space<vmem>>
        %dma_wait3A_175 = tpu.memref_squeeze %dma_wait3A_174 : memref<1x1x128xi32, #tpu.memory_space<vmem>> -> memref<128xi32, #tpu.memory_space<vmem>>
        %dma_wait3A_176 = arith.constant 0 : i32
        %dma_wait3A_177 = arith.constant 0 : i32
        %dma_wait3A_178 = tpu.memref_slice %arg4[%dma_wait3A_176, %dma_wait3A_177] : memref<100000x128xf32, #tpu.memory_space<hbm>> -> memref<100000x128xf32, #tpu.memory_space<hbm>>
        tpu.wait_indirect_dma semaphore(%arg10 : memref<!tpu.dma_semaphore, #tpu.memory_space<semaphore_mem>>) src(%dma_wait3A_178 : memref<100000x128xf32, #tpu.memory_space<hbm>>) dst(%dma_wait3A_172 : memref<128x128xf32, #tpu.memory_space<vmem>>)
        %ge3A = arith.constant 3 : i32
        %ge3A_179 = arith.cmpi sge, %add3A_148, %ge3A : i32
        %convert_element_type3A_180 = arith.extui %ge3A_179 : i1 to i32
        %cond3A_181 = arith.constant 0 : i32
        %cond3A_182 = arith.cmpi ne, %convert_element_type3A_180, %cond3A_181 : i32
        scf.if %cond3A_182 {
          %dma_wait3A_241 = arith.constant 0 : i32
          %dma_wait3A_242 = arith.constant 0 : i32
          %dma_wait3A_243 = arith.constant 0 : i32
          %dma_wait3A_244 = arith.constant 0 : i32
          %dma_wait3A_245 = tpu.memref_slice %arg9[%dma_wait3A_241, %dma_wait3A_243, %dma_wait3A_244] : memref<3x128x128xf32, #tpu.memory_space<vmem>> -> memref<1x128x128xf32, #tpu.memory_space<vmem>>
          %dma_wait3A_246 = tpu.memref_squeeze %dma_wait3A_245 : memref<1x128x128xf32, #tpu.memory_space<vmem>> -> memref<128x128xf32, #tpu.memory_space<vmem>>
          %dma_wait3A_247 = arith.constant 0 : i32
          %dma_wait3A_248 = arith.constant 0 : i32
          %dma_wait3A_249 = tpu.memref_slice %arg5[%dma_wait3A_242, %dma_wait3A_247, %dma_wait3A_248] : memref<26x4096x128xf32, #tpu.memory_space<hbm>> -> memref<1x128x128xf32, #tpu.memory_space<hbm>>
          %dma_wait3A_250 = tpu.memref_squeeze %dma_wait3A_249 : memref<1x128x128xf32, #tpu.memory_space<hbm>> -> memref<128x128xf32, #tpu.memory_space<hbm>>
          %dma_wait3A_251 = arith.constant 0 : i32
          %dma_wait3A_252 = arith.constant 0 : i32
          %dma_wait3A_253 = tpu.memref_slice %arg5[%dma_wait3A_242, %dma_wait3A_251, %dma_wait3A_252] : memref<26x4096x128xf32, #tpu.memory_space<hbm>> -> memref<1x128x128xf32, #tpu.memory_space<hbm>>
          %dma_wait3A_254 = tpu.memref_squeeze %dma_wait3A_253 : memref<1x128x128xf32, #tpu.memory_space<hbm>> -> memref<128x128xf32, #tpu.memory_space<hbm>>
          %dma_wait3A_255 = arith.constant 0 : i32
          %dma_wait3A_256 = arith.constant 0 : i32
          %dma_wait3A_257 = tpu.memref_slice %arg9[%dma_wait3A_241, %dma_wait3A_255, %dma_wait3A_256] : memref<3x128x128xf32, #tpu.memory_space<vmem>> -> memref<1x128x128xf32, #tpu.memory_space<vmem>>
          %dma_wait3A_258 = tpu.memref_squeeze %dma_wait3A_257 : memref<1x128x128xf32, #tpu.memory_space<vmem>> -> memref<128x128xf32, #tpu.memory_space<vmem>>
          tpu.wait_dma2 semaphore(%arg13 : memref<!tpu.dma_semaphore, #tpu.memory_space<semaphore_mem>>) src(%dma_wait3A_258 : memref<128x128xf32, #tpu.memory_space<vmem>>) dst(%dma_wait3A_254 : memref<128x128xf32, #tpu.memory_space<hbm>>)
        } else {
        }
        %parallel_loop3A = arith.constant 0 : i32
        %parallel_loop3A_183 = arith.constant 128 : i32
        %parallel_loop3A_184 = arith.constant 1 : i32
        scf.for %parallel_loop3A_241 = %parallel_loop3A to %parallel_loop3A_183 step %parallel_loop3A_184  : i32 {
          %parallel_loop3A_242 = arith.constant 0 : i32
          %parallel_loop3A_243 = arith.index_cast %parallel_loop3A_242 : i32 to index
          %parallel_loop3A_244 = arith.index_cast %parallel_loop3A_241 : i32 to index
          %parallel_loop3A_245 = arith.constant 0 : index
          %parallel_loop3A_246 = tpu.vector_load %arg8[%parallel_loop3A_243, %parallel_loop3A_244, %parallel_loop3A_245] {strides = array<i32>} : memref<3x128x128xf32, #tpu.memory_space<vmem>>, vector<1x1x16xf32>,
          %parallel_loop3A_247 = vector.shape_cast %parallel_loop3A_246 : vector<1x1x16xf32> to vector<16xf32>
          %parallel_loop3A_248 = arith.mulf %parallel_loop3A_247, %add3A_20 : vector<16xf32>
          %parallel_loop3A_249 = arith.constant 0 : i32
          %parallel_loop3A_250 = arith.index_cast %parallel_loop3A_249 : i32 to index
          %parallel_loop3A_251 = arith.index_cast %parallel_loop3A_241 : i32 to index
          %parallel_loop3A_252 = arith.constant 0 : index
          %parallel_loop3A_253 = tpu.vector_load %arg9[%parallel_loop3A_250, %parallel_loop3A_251, %parallel_loop3A_252] {strides = array<i32>} : memref<3x128x128xf32, #tpu.memory_space<vmem>>, vector<1x1x16xf32>,
          %parallel_loop3A_254 = vector.shape_cast %parallel_loop3A_253 : vector<1x1x16xf32> to vector<16xf32>
          %parallel_loop3A_255 = vector.shape_cast %parallel_loop3A_248 : vector<16xf32> to vector<1x1x16xf32>
          tpu.vector_store %arg9[%parallel_loop3A_250, %parallel_loop3A_251, %parallel_loop3A_252], %parallel_loop3A_255 {strides = array<i32>} : memref<3x128x128xf32, #tpu.memory_space<vmem>>, vector<1x1x16xf32>,
          %parallel_loop3A_256 = arith.constant 0 : i32
          %parallel_loop3A_257 = arith.index_cast %parallel_loop3A_256 : i32 to index
          %parallel_loop3A_258 = arith.index_cast %parallel_loop3A_241 : i32 to index
          %parallel_loop3A_259 = arith.constant 16 : index
          %parallel_loop3A_260 = tpu.vector_load %arg8[%parallel_loop3A_257, %parallel_loop3A_258, %parallel_loop3A_259] {strides = array<i32>} : memref<3x128x128xf32, #tpu.memory_space<vmem>>, vector<1x1x16xf32>,
          %parallel_loop3A_261 = vector.shape_cast %parallel_loop3A_260 : vector<1x1x16xf32> to vector<16xf32>
          %parallel_loop3A_262 = arith.mulf %parallel_loop3A_261, %add3A_25 : vector<16xf32>
          %parallel_loop3A_263 = arith.constant 0 : i32
          %parallel_loop3A_264 = arith.index_cast %parallel_loop3A_263 : i32 to index
          %parallel_loop3A_265 = arith.index_cast %parallel_loop3A_241 : i32 to index
          %parallel_loop3A_266 = arith.constant 16 : index
          %parallel_loop3A_267 = tpu.vector_load %arg9[%parallel_loop3A_264, %parallel_loop3A_265, %parallel_loop3A_266] {strides = array<i32>} : memref<3x128x128xf32, #tpu.memory_space<vmem>>, vector<1x1x16xf32>,
          %parallel_loop3A_268 = vector.shape_cast %parallel_loop3A_267 : vector<1x1x16xf32> to vector<16xf32>
          %parallel_loop3A_269 = vector.shape_cast %parallel_loop3A_262 : vector<16xf32> to vector<1x1x16xf32>
          tpu.vector_store %arg9[%parallel_loop3A_264, %parallel_loop3A_265, %parallel_loop3A_266], %parallel_loop3A_269 {strides = array<i32>} : memref<3x128x128xf32, #tpu.memory_space<vmem>>, vector<1x1x16xf32>,
          %parallel_loop3A_270 = arith.constant 0 : i32
          %parallel_loop3A_271 = arith.index_cast %parallel_loop3A_270 : i32 to index
          %parallel_loop3A_272 = arith.index_cast %parallel_loop3A_241 : i32 to index
          %parallel_loop3A_273 = arith.constant 32 : index
          %parallel_loop3A_274 = tpu.vector_load %arg8[%parallel_loop3A_271, %parallel_loop3A_272, %parallel_loop3A_273] {strides = array<i32>} : memref<3x128x128xf32, #tpu.memory_space<vmem>>, vector<1x1x16xf32>,
          %parallel_loop3A_275 = vector.shape_cast %parallel_loop3A_274 : vector<1x1x16xf32> to vector<16xf32>
          %parallel_loop3A_276 = arith.mulf %parallel_loop3A_275, %add3A_29 : vector<16xf32>
          %parallel_loop3A_277 = arith.constant 0 : i32
          %parallel_loop3A_278 = arith.index_cast %parallel_loop3A_277 : i32 to index
          %parallel_loop3A_279 = arith.index_cast %parallel_loop3A_241 : i32 to index
          %parallel_loop3A_280 = arith.constant 32 : index
          %parallel_loop3A_281 = tpu.vector_load %arg9[%parallel_loop3A_278, %parallel_loop3A_279, %parallel_loop3A_280] {strides = array<i32>} : memref<3x128x128xf32, #tpu.memory_space<vmem>>, vector<1x1x16xf32>,
          %parallel_loop3A_282 = vector.shape_cast %parallel_loop3A_281 : vector<1x1x16xf32> to vector<16xf32>
          %parallel_loop3A_283 = vector.shape_cast %parallel_loop3A_276 : vector<16xf32> to vector<1x1x16xf32>
          tpu.vector_store %arg9[%parallel_loop3A_278, %parallel_loop3A_279, %parallel_loop3A_280], %parallel_loop3A_283 {strides = array<i32>} : memref<3x128x128xf32, #tpu.memory_space<vmem>>, vector<1x1x16xf32>,
          %parallel_loop3A_284 = arith.constant 0 : i32
          %parallel_loop3A_285 = arith.index_cast %parallel_loop3A_284 : i32 to index
          %parallel_loop3A_286 = arith.index_cast %parallel_loop3A_241 : i32 to index
          %parallel_loop3A_287 = arith.constant 48 : index
          %parallel_loop3A_288 = tpu.vector_load %arg8[%parallel_loop3A_285, %parallel_loop3A_286, %parallel_loop3A_287] {strides = array<i32>} : memref<3x128x128xf32, #tpu.memory_space<vmem>>, vector<1x1x16xf32>,
          %parallel_loop3A_289 = vector.shape_cast %parallel_loop3A_288 : vector<1x1x16xf32> to vector<16xf32>
          %parallel_loop3A_290 = arith.mulf %parallel_loop3A_289, %add3A_33 : vector<16xf32>
          %parallel_loop3A_291 = arith.constant 0 : i32
          %parallel_loop3A_292 = arith.index_cast %parallel_loop3A_291 : i32 to index
          %parallel_loop3A_293 = arith.index_cast %parallel_loop3A_241 : i32 to index
          %parallel_loop3A_294 = arith.constant 48 : index
          %parallel_loop3A_295 = tpu.vector_load %arg9[%parallel_loop3A_292, %parallel_loop3A_293, %parallel_loop3A_294] {strides = array<i32>} : memref<3x128x128xf32, #tpu.memory_space<vmem>>, vector<1x1x16xf32>,
          %parallel_loop3A_296 = vector.shape_cast %parallel_loop3A_295 : vector<1x1x16xf32> to vector<16xf32>
          %parallel_loop3A_297 = vector.shape_cast %parallel_loop3A_290 : vector<16xf32> to vector<1x1x16xf32>
          tpu.vector_store %arg9[%parallel_loop3A_292, %parallel_loop3A_293, %parallel_loop3A_294], %parallel_loop3A_297 {strides = array<i32>} : memref<3x128x128xf32, #tpu.memory_space<vmem>>, vector<1x1x16xf32>,
          %parallel_loop3A_298 = arith.constant 0 : i32
          %parallel_loop3A_299 = arith.index_cast %parallel_loop3A_298 : i32 to index
          %parallel_loop3A_300 = arith.index_cast %parallel_loop3A_241 : i32 to index
          %parallel_loop3A_301 = arith.constant 64 : index
          %parallel_loop3A_302 = tpu.vector_load %arg8[%parallel_loop3A_299, %parallel_loop3A_300, %parallel_loop3A_301] {strides = array<i32>} : memref<3x128x128xf32, #tpu.memory_space<vmem>>, vector<1x1x16xf32>,
          %parallel_loop3A_303 = vector.shape_cast %parallel_loop3A_302 : vector<1x1x16xf32> to vector<16xf32>
          %parallel_loop3A_304 = arith.mulf %parallel_loop3A_303, %add3A_36 : vector<16xf32>
          %parallel_loop3A_305 = arith.constant 0 : i32
          %parallel_loop3A_306 = arith.index_cast %parallel_loop3A_305 : i32 to index
          %parallel_loop3A_307 = arith.index_cast %parallel_loop3A_241 : i32 to index
          %parallel_loop3A_308 = arith.constant 64 : index
          %parallel_loop3A_309 = tpu.vector_load %arg9[%parallel_loop3A_306, %parallel_loop3A_307, %parallel_loop3A_308] {strides = array<i32>} : memref<3x128x128xf32, #tpu.memory_space<vmem>>, vector<1x1x16xf32>,
          %parallel_loop3A_310 = vector.shape_cast %parallel_loop3A_309 : vector<1x1x16xf32> to vector<16xf32>
          %parallel_loop3A_311 = vector.shape_cast %parallel_loop3A_304 : vector<16xf32> to vector<1x1x16xf32>
          tpu.vector_store %arg9[%parallel_loop3A_306, %parallel_loop3A_307, %parallel_loop3A_308], %parallel_loop3A_311 {strides = array<i32>} : memref<3x128x128xf32, #tpu.memory_space<vmem>>, vector<1x1x16xf32>,
          %parallel_loop3A_312 = arith.constant 0 : i32
          %parallel_loop3A_313 = arith.index_cast %parallel_loop3A_312 : i32 to index
          %parallel_loop3A_314 = arith.index_cast %parallel_loop3A_241 : i32 to index
          %parallel_loop3A_315 = arith.constant 80 : index
          %parallel_loop3A_316 = tpu.vector_load %arg8[%parallel_loop3A_313, %parallel_loop3A_314, %parallel_loop3A_315] {strides = array<i32>} : memref<3x128x128xf32, #tpu.memory_space<vmem>>, vector<1x1x16xf32>,
          %parallel_loop3A_317 = vector.shape_cast %parallel_loop3A_316 : vector<1x1x16xf32> to vector<16xf32>
          %parallel_loop3A_318 = arith.mulf %parallel_loop3A_317, %add3A_39 : vector<16xf32>
          %parallel_loop3A_319 = arith.constant 0 : i32
          %parallel_loop3A_320 = arith.index_cast %parallel_loop3A_319 : i32 to index
          %parallel_loop3A_321 = arith.index_cast %parallel_loop3A_241 : i32 to index
          %parallel_loop3A_322 = arith.constant 80 : index
          %parallel_loop3A_323 = tpu.vector_load %arg9[%parallel_loop3A_320, %parallel_loop3A_321, %parallel_loop3A_322] {strides = array<i32>} : memref<3x128x128xf32, #tpu.memory_space<vmem>>, vector<1x1x16xf32>,
          %parallel_loop3A_324 = vector.shape_cast %parallel_loop3A_323 : vector<1x1x16xf32> to vector<16xf32>
          %parallel_loop3A_325 = vector.shape_cast %parallel_loop3A_318 : vector<16xf32> to vector<1x1x16xf32>
          tpu.vector_store %arg9[%parallel_loop3A_320, %parallel_loop3A_321, %parallel_loop3A_322], %parallel_loop3A_325 {strides = array<i32>} : memref<3x128x128xf32, #tpu.memory_space<vmem>>, vector<1x1x16xf32>,
          %parallel_loop3A_326 = arith.constant 0 : i32
          %parallel_loop3A_327 = arith.index_cast %parallel_loop3A_326 : i32 to index
          %parallel_loop3A_328 = arith.index_cast %parallel_loop3A_241 : i32 to index
          %parallel_loop3A_329 = arith.constant 96 : index
          %parallel_loop3A_330 = tpu.vector_load %arg8[%parallel_loop3A_327, %parallel_loop3A_328, %parallel_loop3A_329] {strides = array<i32>} : memref<3x128x128xf32, #tpu.memory_space<vmem>>, vector<1x1x16xf32>,
          %parallel_loop3A_331 = vector.shape_cast %parallel_loop3A_330 : vector<1x1x16xf32> to vector<16xf32>
          %parallel_loop3A_332 = arith.mulf %parallel_loop3A_331, %add3A_42 : vector<16xf32>
          %parallel_loop3A_333 = arith.constant 0 : i32
          %parallel_loop3A_334 = arith.index_cast %parallel_loop3A_333 : i32 to index
          %parallel_loop3A_335 = arith.index_cast %parallel_loop3A_241 : i32 to index
          %parallel_loop3A_336 = arith.constant 96 : index
          %parallel_loop3A_337 = tpu.vector_load %arg9[%parallel_loop3A_334, %parallel_loop3A_335, %parallel_loop3A_336] {strides = array<i32>} : memref<3x128x128xf32, #tpu.memory_space<vmem>>, vector<1x1x16xf32>,
          %parallel_loop3A_338 = vector.shape_cast %parallel_loop3A_337 : vector<1x1x16xf32> to vector<16xf32>
          %parallel_loop3A_339 = vector.shape_cast %parallel_loop3A_332 : vector<16xf32> to vector<1x1x16xf32>
          tpu.vector_store %arg9[%parallel_loop3A_334, %parallel_loop3A_335, %parallel_loop3A_336], %parallel_loop3A_339 {strides = array<i32>} : memref<3x128x128xf32, #tpu.memory_space<vmem>>, vector<1x1x16xf32>,
          %parallel_loop3A_340 = arith.constant 0 : i32
          %parallel_loop3A_341 = arith.index_cast %parallel_loop3A_340 : i32 to index
          %parallel_loop3A_342 = arith.index_cast %parallel_loop3A_241 : i32 to index
          %parallel_loop3A_343 = arith.constant 112 : index
          %parallel_loop3A_344 = tpu.vector_load %arg8[%parallel_loop3A_341, %parallel_loop3A_342, %parallel_loop3A_343] {strides = array<i32>} : memref<3x128x128xf32, #tpu.memory_space<vmem>>, vector<1x1x16xf32>,
          %parallel_loop3A_345 = vector.shape_cast %parallel_loop3A_344 : vector<1x1x16xf32> to vector<16xf32>
          %parallel_loop3A_346 = arith.mulf %parallel_loop3A_345, %add3A_45 : vector<16xf32>
          %parallel_loop3A_347 = arith.constant 0 : i32
          %parallel_loop3A_348 = arith.index_cast %parallel_loop3A_347 : i32 to index
          %parallel_loop3A_349 = arith.index_cast %parallel_loop3A_241 : i32 to index
          %parallel_loop3A_350 = arith.constant 112 : index
          %parallel_loop3A_351 = tpu.vector_load %arg9[%parallel_loop3A_348, %parallel_loop3A_349, %parallel_loop3A_350] {strides = array<i32>} : memref<3x128x128xf32, #tpu.memory_space<vmem>>, vector<1x1x16xf32>,
          %parallel_loop3A_352 = vector.shape_cast %parallel_loop3A_351 : vector<1x1x16xf32> to vector<16xf32>
          %parallel_loop3A_353 = vector.shape_cast %parallel_loop3A_346 : vector<16xf32> to vector<1x1x16xf32>
          tpu.vector_store %arg9[%parallel_loop3A_348, %parallel_loop3A_349, %parallel_loop3A_350], %parallel_loop3A_353 {strides = array<i32>} : memref<3x128x128xf32, #tpu.memory_space<vmem>>, vector<1x1x16xf32>,
        } {sc.loop_unroll_factor = 4 : i64, sc.parallel_access}
        %add3A_185 = arith.constant 3 : i32
        %add3A_186 = arith.addi %add3A_148, %add3A_185 : i32
        %lt3A_187 = arith.constant 26 : i32
        %lt3A_188 = arith.cmpi slt, %add3A_186, %lt3A_187 : i32
        %convert_element_type3A_189 = arith.extui %lt3A_188 : i1 to i32
        %cond3A_190 = arith.constant 0 : i32
        %cond3A_191 = arith.cmpi ne, %convert_element_type3A_189, %cond3A_190 : i32
        scf.if %cond3A_191 {
          %add3A_241 = arith.constant 3 : i32
          %add3A_242 = arith.addi %add3A_148, %add3A_241 : i32
          %dma_start3A_243 = arith.constant 0 : i32
          %dma_start3A_244 = arith.constant 0 : i32
          %dma_start3A_245 = arith.constant 0 : i32
          %dma_start3A_246 = arith.constant 0 : i32
          %dma_start3A_247 = tpu.memref_slice %arg8[%dma_start3A_244, %dma_start3A_245, %dma_start3A_246] : memref<3x128x128xf32, #tpu.memory_space<vmem>> -> memref<1x128x128xf32, #tpu.memory_space<vmem>>
          %dma_start3A_248 = tpu.memref_squeeze %dma_start3A_247 : memref<1x128x128xf32, #tpu.memory_space<vmem>> -> memref<128x128xf32, #tpu.memory_space<vmem>>
          %dma_start3A_249 = arith.constant 0 : i32
          %dma_start3A_250 = tpu.memref_slice %arg6[%add3A_242, %dma_start3A_243, %dma_start3A_249] : memref<26x1x128xi32, #tpu.memory_space<vmem>> -> memref<1x1x128xi32, #tpu.memory_space<vmem>>
          %dma_start3A_251 = tpu.memref_squeeze %dma_start3A_250 : memref<1x1x128xi32, #tpu.memory_space<vmem>> -> memref<128xi32, #tpu.memory_space<vmem>>
          %dma_start3A_252 = arith.constant 0 : i32
          %dma_start3A_253 = arith.constant 0 : i32
          %dma_start3A_254 = tpu.memref_slice %arg4[%dma_start3A_252, %dma_start3A_253] : memref<100000x128xf32, #tpu.memory_space<hbm>> -> memref<100000x128xf32, #tpu.memory_space<hbm>>
          tpu.enqueue_indirect_dma source(%dma_start3A_254 : memref<100000x128xf32, #tpu.memory_space<hbm>>) target(%dma_start3A_248 : memref<128x128xf32, #tpu.memory_space<vmem>>) offsets(%dma_start3A_251 : memref<128xi32, #tpu.memory_space<vmem>>) semaphore(%arg10 : memref<!tpu.dma_semaphore, #tpu.memory_space<semaphore_mem>>)
        } else {
        }
        %add3A_192 = arith.addi %mul3A_2, %add3A_148 : i32
        %jit3A = arith.constant 32 : i32
        %div3A = arith.divsi %add3A_192, %jit3A : i32
        %sign3A = arith.constant 0 : i32
        %sign3A_193 = arith.cmpi sgt, %add3A_192, %sign3A : i32
        %sign3A_194 = arith.extui %sign3A_193 : i1 to i32
        %sign3A_195 = arith.constant 0 : i32
        %sign3A_196 = arith.cmpi slt, %add3A_192, %sign3A_195 : i32
        %sign3A_197 = arith.extui %sign3A_196 : i1 to i32
        %sign3A_198 = arith.subi %sign3A_194, %sign3A_197 : i32
        %sign3A_199 = arith.constant 0 : i32
        %sign3A_200 = arith.cmpi sgt, %jit3A, %sign3A_199 : i32
        %sign3A_201 = arith.extui %sign3A_200 : i1 to i32
        %sign3A_202 = arith.constant 0 : i32
        %sign3A_203 = arith.cmpi slt, %jit3A, %sign3A_202 : i32
        %sign3A_204 = arith.extui %sign3A_203 : i1 to i32
        %sign3A_205 = arith.subi %sign3A_201, %sign3A_204 : i32
        %ne3A = arith.cmpi ne, %sign3A_198, %sign3A_205 : i32
        %rem3A = arith.remsi %add3A_192, %jit3A : i32
        %ne3A_206 = arith.constant 0 : i32
        %ne3A_207 = arith.cmpi ne, %rem3A, %ne3A_206 : i32
        %and3A = arith.andi %ne3A, %ne3A_207 : i1
        %sub3A = arith.constant 1 : i32
        %sub3A_208 = arith.subi %div3A, %sub3A : i32
        %select_n3A = arith.select %and3A, %sub3A_208, %div3A : i32
        %jit3A_209 = arith.constant 32 : i32
        %eq3A = arith.constant 0 : i32
        %eq3A_210 = arith.cmpi eq, %jit3A_209, %eq3A : i32
        %jit3A_211 = arith.constant 1 : i32
        %select_n3A_212 = arith.select %eq3A_210, %jit3A_211, %jit3A_209 : i32
        %rem3A_213 = arith.remsi %add3A_192, %select_n3A_212 : i32
        %ne3A_214 = arith.constant 0 : i32
        %ne3A_215 = arith.cmpi ne, %rem3A_213, %ne3A_214 : i32
        %lt3A_216 = arith.constant 0 : i32
        %lt3A_217 = arith.cmpi slt, %rem3A_213, %lt3A_216 : i32
        %lt3A_218 = arith.constant 0 : i32
        %lt3A_219 = arith.cmpi slt, %select_n3A_212, %lt3A_218 : i32
        %ne3A_220 = arith.xori %lt3A_217, %lt3A_219 : i1
        %and3A_221 = arith.andi %ne3A_220, %ne3A_215 : i1
        %add3A_222 = arith.addi %rem3A_213, %select_n3A_212 : i32
        %select_n3A_223 = arith.select %and3A_221, %add3A_222, %rem3A_213 : i32
        %mul3A_224 = arith.constant 128 : i32
        %mul3A_225 = arith.muli %select_n3A_223, %mul3A_224 : i32
        %dma_start3A_226 = arith.constant 0 : i32
        %dma_start3A_227 = arith.constant 0 : i32
        %dma_start3A_228 = arith.constant 0 : i32
        %dma_start3A_229 = tpu.memref_slice %arg9[%dma_start3A_226, %dma_start3A_227, %dma_start3A_228] : memref<3x128x128xf32, #tpu.memory_space<vmem>> -> memref<1x128x128xf32, #tpu.memory_space<vmem>>
        %dma_start3A_230 = tpu.memref_squeeze %dma_start3A_229 : memref<1x128x128xf32, #tpu.memory_space<vmem>> -> memref<128x128xf32, #tpu.memory_space<vmem>>
        %dma_start3A_231 = arith.constant 0 : i32
        %dma_start3A_232 = tpu.memref_slice %arg5[%select_n3A, %mul3A_225, %dma_start3A_231] : memref<26x4096x128xf32, #tpu.memory_space<hbm>> -> memref<1x128x128xf32, #tpu.memory_space<hbm>>
        %dma_start3A_233 = tpu.memref_squeeze %dma_start3A_232 : memref<1x128x128xf32, #tpu.memory_space<hbm>> -> memref<128x128xf32, #tpu.memory_space<hbm>>
        %dma_start3A_234 = arith.constant 0 : i32
        %dma_start3A_235 = tpu.memref_slice %arg5[%select_n3A, %mul3A_225, %dma_start3A_234] : memref<26x4096x128xf32, #tpu.memory_space<hbm>> -> memref<1x128x128xf32, #tpu.memory_space<hbm>>
        %dma_start3A_236 = tpu.memref_squeeze %dma_start3A_235 : memref<1x128x128xf32, #tpu.memory_space<hbm>> -> memref<128x128xf32, #tpu.memory_space<hbm>>
        %dma_start3A_237 = arith.constant 0 : i32
        %dma_start3A_238 = arith.constant 0 : i32
        %dma_start3A_239 = tpu.memref_slice %arg9[%dma_start3A_226, %dma_start3A_237, %dma_start3A_238] : memref<3x128x128xf32, #tpu.memory_space<vmem>> -> memref<1x128x128xf32, #tpu.memory_space<vmem>>
        %dma_start3A_240 = tpu.memref_squeeze %dma_start3A_239 : memref<1x128x128xf32, #tpu.memory_space<vmem>> -> memref<128x128xf32, #tpu.memory_space<vmem>>
        tpu.enqueue_dma source(%dma_start3A_240 : memref<128x128xf32, #tpu.memory_space<vmem>>) target(%dma_start3A_236 : memref<128x128xf32, #tpu.memory_space<hbm>>) target_semaphore(%arg13 : memref<!tpu.dma_semaphore, #tpu.memory_space<semaphore_mem>>)
      } else {
      }
      %add3A_151 = arith.constant 1 : i32
      %add3A_152 = arith.addi %mul3A_146, %add3A_151 : i32
      %lt3A_153 = arith.constant 26 : i32
      %lt3A_154 = arith.cmpi slt, %add3A_152, %lt3A_153 : i32
      %convert_element_type3A_155 = arith.extui %lt3A_154 : i1 to i32
      %cond3A_156 = arith.constant 0 : i32
      %cond3A_157 = arith.cmpi ne, %convert_element_type3A_155, %cond3A_156 : i32
      scf.if %cond3A_157 {
        %dma_wait3A_166 = arith.constant 0 : i32
        %dma_wait3A_167 = arith.constant 0 : i32
        %dma_wait3A_168 = arith.constant 1 : i32
        %dma_wait3A_169 = arith.constant 0 : i32
        %dma_wait3A_170 = arith.constant 0 : i32
        %dma_wait3A_171 = tpu.memref_slice %arg8[%dma_wait3A_168, %dma_wait3A_169, %dma_wait3A_170] : memref<3x128x128xf32, #tpu.memory_space<vmem>> -> memref<1x128x128xf32, #tpu.memory_space<vmem>>
        %dma_wait3A_172 = tpu.memref_squeeze %dma_wait3A_171 : memref<1x128x128xf32, #tpu.memory_space<vmem>> -> memref<128x128xf32, #tpu.memory_space<vmem>>
        %dma_wait3A_173 = arith.constant 0 : i32
        %dma_wait3A_174 = tpu.memref_slice %arg6[%dma_wait3A_166, %dma_wait3A_167, %dma_wait3A_173] : memref<26x1x128xi32, #tpu.memory_space<vmem>> -> memref<1x1x128xi32, #tpu.memory_space<vmem>>
        %dma_wait3A_175 = tpu.memref_squeeze %dma_wait3A_174 : memref<1x1x128xi32, #tpu.memory_space<vmem>> -> memref<128xi32, #tpu.memory_space<vmem>>
        %dma_wait3A_176 = arith.constant 0 : i32
        %dma_wait3A_177 = arith.constant 0 : i32
        %dma_wait3A_178 = tpu.memref_slice %arg4[%dma_wait3A_176, %dma_wait3A_177] : memref<100000x128xf32, #tpu.memory_space<hbm>> -> memref<100000x128xf32, #tpu.memory_space<hbm>>
        tpu.wait_indirect_dma semaphore(%arg11 : memref<!tpu.dma_semaphore, #tpu.memory_space<semaphore_mem>>) src(%dma_wait3A_178 : memref<100000x128xf32, #tpu.memory_space<hbm>>) dst(%dma_wait3A_172 : memref<128x128xf32, #tpu.memory_space<vmem>>)
        %ge3A = arith.constant 3 : i32
        %ge3A_179 = arith.cmpi sge, %add3A_152, %ge3A : i32
        %convert_element_type3A_180 = arith.extui %ge3A_179 : i1 to i32
        %cond3A_181 = arith.constant 0 : i32
        %cond3A_182 = arith.cmpi ne, %convert_element_type3A_180, %cond3A_181 : i32
        scf.if %cond3A_182 {
          %dma_wait3A_241 = arith.constant 1 : i32
          %dma_wait3A_242 = arith.constant 0 : i32
          %dma_wait3A_243 = arith.constant 0 : i32
          %dma_wait3A_244 = arith.constant 0 : i32
          %dma_wait3A_245 = tpu.memref_slice %arg9[%dma_wait3A_241, %dma_wait3A_243, %dma_wait3A_244] : memref<3x128x128xf32, #tpu.memory_space<vmem>> -> memref<1x128x128xf32, #tpu.memory_space<vmem>>
          %dma_wait3A_246 = tpu.memref_squeeze %dma_wait3A_245 : memref<1x128x128xf32, #tpu.memory_space<vmem>> -> memref<128x128xf32, #tpu.memory_space<vmem>>
          %dma_wait3A_247 = arith.constant 0 : i32
          %dma_wait3A_248 = arith.constant 0 : i32
          %dma_wait3A_249 = tpu.memref_slice %arg5[%dma_wait3A_242, %dma_wait3A_247, %dma_wait3A_248] : memref<26x4096x128xf32, #tpu.memory_space<hbm>> -> memref<1x128x128xf32, #tpu.memory_space<hbm>>
          %dma_wait3A_250 = tpu.memref_squeeze %dma_wait3A_249 : memref<1x128x128xf32, #tpu.memory_space<hbm>> -> memref<128x128xf32, #tpu.memory_space<hbm>>
          %dma_wait3A_251 = arith.constant 0 : i32
          %dma_wait3A_252 = arith.constant 0 : i32
          %dma_wait3A_253 = tpu.memref_slice %arg5[%dma_wait3A_242, %dma_wait3A_251, %dma_wait3A_252] : memref<26x4096x128xf32, #tpu.memory_space<hbm>> -> memref<1x128x128xf32, #tpu.memory_space<hbm>>
          %dma_wait3A_254 = tpu.memref_squeeze %dma_wait3A_253 : memref<1x128x128xf32, #tpu.memory_space<hbm>> -> memref<128x128xf32, #tpu.memory_space<hbm>>
          %dma_wait3A_255 = arith.constant 0 : i32
          %dma_wait3A_256 = arith.constant 0 : i32
          %dma_wait3A_257 = tpu.memref_slice %arg9[%dma_wait3A_241, %dma_wait3A_255, %dma_wait3A_256] : memref<3x128x128xf32, #tpu.memory_space<vmem>> -> memref<1x128x128xf32, #tpu.memory_space<vmem>>
          %dma_wait3A_258 = tpu.memref_squeeze %dma_wait3A_257 : memref<1x128x128xf32, #tpu.memory_space<vmem>> -> memref<128x128xf32, #tpu.memory_space<vmem>>
          tpu.wait_dma2 semaphore(%arg14 : memref<!tpu.dma_semaphore, #tpu.memory_space<semaphore_mem>>) src(%dma_wait3A_258 : memref<128x128xf32, #tpu.memory_space<vmem>>) dst(%dma_wait3A_254 : memref<128x128xf32, #tpu.memory_space<hbm>>)
        } else {
        }
        %parallel_loop3A = arith.constant 0 : i32
        %parallel_loop3A_183 = arith.constant 128 : i32
        %parallel_loop3A_184 = arith.constant 1 : i32
        scf.for %parallel_loop3A_241 = %parallel_loop3A to %parallel_loop3A_183 step %parallel_loop3A_184  : i32 {
          %parallel_loop3A_242 = arith.constant 1 : i32
          %parallel_loop3A_243 = arith.index_cast %parallel_loop3A_242 : i32 to index
          %parallel_loop3A_244 = arith.index_cast %parallel_loop3A_241 : i32 to index
          %parallel_loop3A_245 = arith.constant 0 : index
          %parallel_loop3A_246 = tpu.vector_load %arg8[%parallel_loop3A_243, %parallel_loop3A_244, %parallel_loop3A_245] {strides = array<i32>} : memref<3x128x128xf32, #tpu.memory_space<vmem>>, vector<1x1x16xf32>,
          %parallel_loop3A_247 = vector.shape_cast %parallel_loop3A_246 : vector<1x1x16xf32> to vector<16xf32>
          %parallel_loop3A_248 = arith.mulf %parallel_loop3A_247, %add3A_20 : vector<16xf32>
          %parallel_loop3A_249 = arith.constant 1 : i32
          %parallel_loop3A_250 = arith.index_cast %parallel_loop3A_249 : i32 to index
          %parallel_loop3A_251 = arith.index_cast %parallel_loop3A_241 : i32 to index
          %parallel_loop3A_252 = arith.constant 0 : index
          %parallel_loop3A_253 = tpu.vector_load %arg9[%parallel_loop3A_250, %parallel_loop3A_251, %parallel_loop3A_252] {strides = array<i32>} : memref<3x128x128xf32, #tpu.memory_space<vmem>>, vector<1x1x16xf32>,
          %parallel_loop3A_254 = vector.shape_cast %parallel_loop3A_253 : vector<1x1x16xf32> to vector<16xf32>
          %parallel_loop3A_255 = vector.shape_cast %parallel_loop3A_248 : vector<16xf32> to vector<1x1x16xf32>
          tpu.vector_store %arg9[%parallel_loop3A_250, %parallel_loop3A_251, %parallel_loop3A_252], %parallel_loop3A_255 {strides = array<i32>} : memref<3x128x128xf32, #tpu.memory_space<vmem>>, vector<1x1x16xf32>,
          %parallel_loop3A_256 = arith.constant 1 : i32
          %parallel_loop3A_257 = arith.index_cast %parallel_loop3A_256 : i32 to index
          %parallel_loop3A_258 = arith.index_cast %parallel_loop3A_241 : i32 to index
          %parallel_loop3A_259 = arith.constant 16 : index
          %parallel_loop3A_260 = tpu.vector_load %arg8[%parallel_loop3A_257, %parallel_loop3A_258, %parallel_loop3A_259] {strides = array<i32>} : memref<3x128x128xf32, #tpu.memory_space<vmem>>, vector<1x1x16xf32>,
          %parallel_loop3A_261 = vector.shape_cast %parallel_loop3A_260 : vector<1x1x16xf32> to vector<16xf32>
          %parallel_loop3A_262 = arith.mulf %parallel_loop3A_261, %add3A_25 : vector<16xf32>
          %parallel_loop3A_263 = arith.constant 1 : i32
          %parallel_loop3A_264 = arith.index_cast %parallel_loop3A_263 : i32 to index
          %parallel_loop3A_265 = arith.index_cast %parallel_loop3A_241 : i32 to index
          %parallel_loop3A_266 = arith.constant 16 : index
          %parallel_loop3A_267 = tpu.vector_load %arg9[%parallel_loop3A_264, %parallel_loop3A_265, %parallel_loop3A_266] {strides = array<i32>} : memref<3x128x128xf32, #tpu.memory_space<vmem>>, vector<1x1x16xf32>,
          %parallel_loop3A_268 = vector.shape_cast %parallel_loop3A_267 : vector<1x1x16xf32> to vector<16xf32>
          %parallel_loop3A_269 = vector.shape_cast %parallel_loop3A_262 : vector<16xf32> to vector<1x1x16xf32>
          tpu.vector_store %arg9[%parallel_loop3A_264, %parallel_loop3A_265, %parallel_loop3A_266], %parallel_loop3A_269 {strides = array<i32>} : memref<3x128x128xf32, #tpu.memory_space<vmem>>, vector<1x1x16xf32>,
          %parallel_loop3A_270 = arith.constant 1 : i32
          %parallel_loop3A_271 = arith.index_cast %parallel_loop3A_270 : i32 to index
          %parallel_loop3A_272 = arith.index_cast %parallel_loop3A_241 : i32 to index
          %parallel_loop3A_273 = arith.constant 32 : index
          %parallel_loop3A_274 = tpu.vector_load %arg8[%parallel_loop3A_271, %parallel_loop3A_272, %parallel_loop3A_273] {strides = array<i32>} : memref<3x128x128xf32, #tpu.memory_space<vmem>>, vector<1x1x16xf32>,
          %parallel_loop3A_275 = vector.shape_cast %parallel_loop3A_274 : vector<1x1x16xf32> to vector<16xf32>
          %parallel_loop3A_276 = arith.mulf %parallel_loop3A_275, %add3A_29 : vector<16xf32>
          %parallel_loop3A_277 = arith.constant 1 : i32
          %parallel_loop3A_278 = arith.index_cast %parallel_loop3A_277 : i32 to index
          %parallel_loop3A_279 = arith.index_cast %parallel_loop3A_241 : i32 to index
          %parallel_loop3A_280 = arith.constant 32 : index
          %parallel_loop3A_281 = tpu.vector_load %arg9[%parallel_loop3A_278, %parallel_loop3A_279, %parallel_loop3A_280] {strides = array<i32>} : memref<3x128x128xf32, #tpu.memory_space<vmem>>, vector<1x1x16xf32>,
          %parallel_loop3A_282 = vector.shape_cast %parallel_loop3A_281 : vector<1x1x16xf32> to vector<16xf32>
          %parallel_loop3A_283 = vector.shape_cast %parallel_loop3A_276 : vector<16xf32> to vector<1x1x16xf32>
          tpu.vector_store %arg9[%parallel_loop3A_278, %parallel_loop3A_279, %parallel_loop3A_280], %parallel_loop3A_283 {strides = array<i32>} : memref<3x128x128xf32, #tpu.memory_space<vmem>>, vector<1x1x16xf32>,
          %parallel_loop3A_284 = arith.constant 1 : i32
          %parallel_loop3A_285 = arith.index_cast %parallel_loop3A_284 : i32 to index
          %parallel_loop3A_286 = arith.index_cast %parallel_loop3A_241 : i32 to index
          %parallel_loop3A_287 = arith.constant 48 : index
          %parallel_loop3A_288 = tpu.vector_load %arg8[%parallel_loop3A_285, %parallel_loop3A_286, %parallel_loop3A_287] {strides = array<i32>} : memref<3x128x128xf32, #tpu.memory_space<vmem>>, vector<1x1x16xf32>,
          %parallel_loop3A_289 = vector.shape_cast %parallel_loop3A_288 : vector<1x1x16xf32> to vector<16xf32>
          %parallel_loop3A_290 = arith.mulf %parallel_loop3A_289, %add3A_33 : vector<16xf32>
          %parallel_loop3A_291 = arith.constant 1 : i32
          %parallel_loop3A_292 = arith.index_cast %parallel_loop3A_291 : i32 to index
          %parallel_loop3A_293 = arith.index_cast %parallel_loop3A_241 : i32 to index
          %parallel_loop3A_294 = arith.constant 48 : index
          %parallel_loop3A_295 = tpu.vector_load %arg9[%parallel_loop3A_292, %parallel_loop3A_293, %parallel_loop3A_294] {strides = array<i32>} : memref<3x128x128xf32, #tpu.memory_space<vmem>>, vector<1x1x16xf32>,
          %parallel_loop3A_296 = vector.shape_cast %parallel_loop3A_295 : vector<1x1x16xf32> to vector<16xf32>
          %parallel_loop3A_297 = vector.shape_cast %parallel_loop3A_290 : vector<16xf32> to vector<1x1x16xf32>
          tpu.vector_store %arg9[%parallel_loop3A_292, %parallel_loop3A_293, %parallel_loop3A_294], %parallel_loop3A_297 {strides = array<i32>} : memref<3x128x128xf32, #tpu.memory_space<vmem>>, vector<1x1x16xf32>,
          %parallel_loop3A_298 = arith.constant 1 : i32
          %parallel_loop3A_299 = arith.index_cast %parallel_loop3A_298 : i32 to index
          %parallel_loop3A_300 = arith.index_cast %parallel_loop3A_241 : i32 to index
          %parallel_loop3A_301 = arith.constant 64 : index
          %parallel_loop3A_302 = tpu.vector_load %arg8[%parallel_loop3A_299, %parallel_loop3A_300, %parallel_loop3A_301] {strides = array<i32>} : memref<3x128x128xf32, #tpu.memory_space<vmem>>, vector<1x1x16xf32>,
          %parallel_loop3A_303 = vector.shape_cast %parallel_loop3A_302 : vector<1x1x16xf32> to vector<16xf32>
          %parallel_loop3A_304 = arith.mulf %parallel_loop3A_303, %add3A_36 : vector<16xf32>
          %parallel_loop3A_305 = arith.constant 1 : i32
          %parallel_loop3A_306 = arith.index_cast %parallel_loop3A_305 : i32 to index
          %parallel_loop3A_307 = arith.index_cast %parallel_loop3A_241 : i32 to index
          %parallel_loop3A_308 = arith.constant 64 : index
          %parallel_loop3A_309 = tpu.vector_load %arg9[%parallel_loop3A_306, %parallel_loop3A_307, %parallel_loop3A_308] {strides = array<i32>} : memref<3x128x128xf32, #tpu.memory_space<vmem>>, vector<1x1x16xf32>,
          %parallel_loop3A_310 = vector.shape_cast %parallel_loop3A_309 : vector<1x1x16xf32> to vector<16xf32>
          %parallel_loop3A_311 = vector.shape_cast %parallel_loop3A_304 : vector<16xf32> to vector<1x1x16xf32>
          tpu.vector_store %arg9[%parallel_loop3A_306, %parallel_loop3A_307, %parallel_loop3A_308], %parallel_loop3A_311 {strides = array<i32>} : memref<3x128x128xf32, #tpu.memory_space<vmem>>, vector<1x1x16xf32>,
          %parallel_loop3A_312 = arith.constant 1 : i32
          %parallel_loop3A_313 = arith.index_cast %parallel_loop3A_312 : i32 to index
          %parallel_loop3A_314 = arith.index_cast %parallel_loop3A_241 : i32 to index
          %parallel_loop3A_315 = arith.constant 80 : index
          %parallel_loop3A_316 = tpu.vector_load %arg8[%parallel_loop3A_313, %parallel_loop3A_314, %parallel_loop3A_315] {strides = array<i32>} : memref<3x128x128xf32, #tpu.memory_space<vmem>>, vector<1x1x16xf32>,
          %parallel_loop3A_317 = vector.shape_cast %parallel_loop3A_316 : vector<1x1x16xf32> to vector<16xf32>
          %parallel_loop3A_318 = arith.mulf %parallel_loop3A_317, %add3A_39 : vector<16xf32>
          %parallel_loop3A_319 = arith.constant 1 : i32
          %parallel_loop3A_320 = arith.index_cast %parallel_loop3A_319 : i32 to index
          %parallel_loop3A_321 = arith.index_cast %parallel_loop3A_241 : i32 to index
          %parallel_loop3A_322 = arith.constant 80 : index
          %parallel_loop3A_323 = tpu.vector_load %arg9[%parallel_loop3A_320, %parallel_loop3A_321, %parallel_loop3A_322] {strides = array<i32>} : memref<3x128x128xf32, #tpu.memory_space<vmem>>, vector<1x1x16xf32>,
          %parallel_loop3A_324 = vector.shape_cast %parallel_loop3A_323 : vector<1x1x16xf32> to vector<16xf32>
          %parallel_loop3A_325 = vector.shape_cast %parallel_loop3A_318 : vector<16xf32> to vector<1x1x16xf32>
          tpu.vector_store %arg9[%parallel_loop3A_320, %parallel_loop3A_321, %parallel_loop3A_322], %parallel_loop3A_325 {strides = array<i32>} : memref<3x128x128xf32, #tpu.memory_space<vmem>>, vector<1x1x16xf32>,
          %parallel_loop3A_326 = arith.constant 1 : i32
          %parallel_loop3A_327 = arith.index_cast %parallel_loop3A_326 : i32 to index
          %parallel_loop3A_328 = arith.index_cast %parallel_loop3A_241 : i32 to index
          %parallel_loop3A_329 = arith.constant 96 : index
          %parallel_loop3A_330 = tpu.vector_load %arg8[%parallel_loop3A_327, %parallel_loop3A_328, %parallel_loop3A_329] {strides = array<i32>} : memref<3x128x128xf32, #tpu.memory_space<vmem>>, vector<1x1x16xf32>,
          %parallel_loop3A_331 = vector.shape_cast %parallel_loop3A_330 : vector<1x1x16xf32> to vector<16xf32>
          %parallel_loop3A_332 = arith.mulf %parallel_loop3A_331, %add3A_42 : vector<16xf32>
          %parallel_loop3A_333 = arith.constant 1 : i32
          %parallel_loop3A_334 = arith.index_cast %parallel_loop3A_333 : i32 to index
          %parallel_loop3A_335 = arith.index_cast %parallel_loop3A_241 : i32 to index
          %parallel_loop3A_336 = arith.constant 96 : index
          %parallel_loop3A_337 = tpu.vector_load %arg9[%parallel_loop3A_334, %parallel_loop3A_335, %parallel_loop3A_336] {strides = array<i32>} : memref<3x128x128xf32, #tpu.memory_space<vmem>>, vector<1x1x16xf32>,
          %parallel_loop3A_338 = vector.shape_cast %parallel_loop3A_337 : vector<1x1x16xf32> to vector<16xf32>
          %parallel_loop3A_339 = vector.shape_cast %parallel_loop3A_332 : vector<16xf32> to vector<1x1x16xf32>
          tpu.vector_store %arg9[%parallel_loop3A_334, %parallel_loop3A_335, %parallel_loop3A_336], %parallel_loop3A_339 {strides = array<i32>} : memref<3x128x128xf32, #tpu.memory_space<vmem>>, vector<1x1x16xf32>,
          %parallel_loop3A_340 = arith.constant 1 : i32
          %parallel_loop3A_341 = arith.index_cast %parallel_loop3A_340 : i32 to index
          %parallel_loop3A_342 = arith.index_cast %parallel_loop3A_241 : i32 to index
          %parallel_loop3A_343 = arith.constant 112 : index
          %parallel_loop3A_344 = tpu.vector_load %arg8[%parallel_loop3A_341, %parallel_loop3A_342, %parallel_loop3A_343] {strides = array<i32>} : memref<3x128x128xf32, #tpu.memory_space<vmem>>, vector<1x1x16xf32>,
          %parallel_loop3A_345 = vector.shape_cast %parallel_loop3A_344 : vector<1x1x16xf32> to vector<16xf32>
          %parallel_loop3A_346 = arith.mulf %parallel_loop3A_345, %add3A_45 : vector<16xf32>
          %parallel_loop3A_347 = arith.constant 1 : i32
          %parallel_loop3A_348 = arith.index_cast %parallel_loop3A_347 : i32 to index
          %parallel_loop3A_349 = arith.index_cast %parallel_loop3A_241 : i32 to index
          %parallel_loop3A_350 = arith.constant 112 : index
          %parallel_loop3A_351 = tpu.vector_load %arg9[%parallel_loop3A_348, %parallel_loop3A_349, %parallel_loop3A_350] {strides = array<i32>} : memref<3x128x128xf32, #tpu.memory_space<vmem>>, vector<1x1x16xf32>,
          %parallel_loop3A_352 = vector.shape_cast %parallel_loop3A_351 : vector<1x1x16xf32> to vector<16xf32>
          %parallel_loop3A_353 = vector.shape_cast %parallel_loop3A_346 : vector<16xf32> to vector<1x1x16xf32>
          tpu.vector_store %arg9[%parallel_loop3A_348, %parallel_loop3A_349, %parallel_loop3A_350], %parallel_loop3A_353 {strides = array<i32>} : memref<3x128x128xf32, #tpu.memory_space<vmem>>, vector<1x1x16xf32>,
        } {sc.loop_unroll_factor = 4 : i64, sc.parallel_access}
        %add3A_185 = arith.constant 3 : i32
        %add3A_186 = arith.addi %add3A_152, %add3A_185 : i32
        %lt3A_187 = arith.constant 26 : i32
        %lt3A_188 = arith.cmpi slt, %add3A_186, %lt3A_187 : i32
        %convert_element_type3A_189 = arith.extui %lt3A_188 : i1 to i32
        %cond3A_190 = arith.constant 0 : i32
        %cond3A_191 = arith.cmpi ne, %convert_element_type3A_189, %cond3A_190 : i32
        scf.if %cond3A_191 {
          %add3A_241 = arith.constant 3 : i32
          %add3A_242 = arith.addi %add3A_152, %add3A_241 : i32
          %dma_start3A_243 = arith.constant 0 : i32
          %dma_start3A_244 = arith.constant 1 : i32
          %dma_start3A_245 = arith.constant 0 : i32
          %dma_start3A_246 = arith.constant 0 : i32
          %dma_start3A_247 = tpu.memref_slice %arg8[%dma_start3A_244, %dma_start3A_245, %dma_start3A_246] : memref<3x128x128xf32, #tpu.memory_space<vmem>> -> memref<1x128x128xf32, #tpu.memory_space<vmem>>
          %dma_start3A_248 = tpu.memref_squeeze %dma_start3A_247 : memref<1x128x128xf32, #tpu.memory_space<vmem>> -> memref<128x128xf32, #tpu.memory_space<vmem>>
          %dma_start3A_249 = arith.constant 0 : i32
          %dma_start3A_250 = tpu.memref_slice %arg6[%add3A_242, %dma_start3A_243, %dma_start3A_249] : memref<26x1x128xi32, #tpu.memory_space<vmem>> -> memref<1x1x128xi32, #tpu.memory_space<vmem>>
          %dma_start3A_251 = tpu.memref_squeeze %dma_start3A_250 : memref<1x1x128xi32, #tpu.memory_space<vmem>> -> memref<128xi32, #tpu.memory_space<vmem>>
          %dma_start3A_252 = arith.constant 0 : i32
          %dma_start3A_253 = arith.constant 0 : i32
          %dma_start3A_254 = tpu.memref_slice %arg4[%dma_start3A_252, %dma_start3A_253] : memref<100000x128xf32, #tpu.memory_space<hbm>> -> memref<100000x128xf32, #tpu.memory_space<hbm>>
          tpu.enqueue_indirect_dma source(%dma_start3A_254 : memref<100000x128xf32, #tpu.memory_space<hbm>>) target(%dma_start3A_248 : memref<128x128xf32, #tpu.memory_space<vmem>>) offsets(%dma_start3A_251 : memref<128xi32, #tpu.memory_space<vmem>>) semaphore(%arg11 : memref<!tpu.dma_semaphore, #tpu.memory_space<semaphore_mem>>)
        } else {
        }
        %add3A_192 = arith.addi %mul3A_2, %add3A_152 : i32
        %jit3A = arith.constant 32 : i32
        %div3A = arith.divsi %add3A_192, %jit3A : i32
        %sign3A = arith.constant 0 : i32
        %sign3A_193 = arith.cmpi sgt, %add3A_192, %sign3A : i32
        %sign3A_194 = arith.extui %sign3A_193 : i1 to i32
        %sign3A_195 = arith.constant 0 : i32
        %sign3A_196 = arith.cmpi slt, %add3A_192, %sign3A_195 : i32
        %sign3A_197 = arith.extui %sign3A_196 : i1 to i32
        %sign3A_198 = arith.subi %sign3A_194, %sign3A_197 : i32
        %sign3A_199 = arith.constant 0 : i32
        %sign3A_200 = arith.cmpi sgt, %jit3A, %sign3A_199 : i32
        %sign3A_201 = arith.extui %sign3A_200 : i1 to i32
        %sign3A_202 = arith.constant 0 : i32
        %sign3A_203 = arith.cmpi slt, %jit3A, %sign3A_202 : i32
        %sign3A_204 = arith.extui %sign3A_203 : i1 to i32
        %sign3A_205 = arith.subi %sign3A_201, %sign3A_204 : i32
        %ne3A = arith.cmpi ne, %sign3A_198, %sign3A_205 : i32
        %rem3A = arith.remsi %add3A_192, %jit3A : i32
        %ne3A_206 = arith.constant 0 : i32
        %ne3A_207 = arith.cmpi ne, %rem3A, %ne3A_206 : i32
        %and3A = arith.andi %ne3A, %ne3A_207 : i1
        %sub3A = arith.constant 1 : i32
        %sub3A_208 = arith.subi %div3A, %sub3A : i32
        %select_n3A = arith.select %and3A, %sub3A_208, %div3A : i32
        %jit3A_209 = arith.constant 32 : i32
        %eq3A = arith.constant 0 : i32
        %eq3A_210 = arith.cmpi eq, %jit3A_209, %eq3A : i32
        %jit3A_211 = arith.constant 1 : i32
        %select_n3A_212 = arith.select %eq3A_210, %jit3A_211, %jit3A_209 : i32
        %rem3A_213 = arith.remsi %add3A_192, %select_n3A_212 : i32
        %ne3A_214 = arith.constant 0 : i32
        %ne3A_215 = arith.cmpi ne, %rem3A_213, %ne3A_214 : i32
        %lt3A_216 = arith.constant 0 : i32
        %lt3A_217 = arith.cmpi slt, %rem3A_213, %lt3A_216 : i32
        %lt3A_218 = arith.constant 0 : i32
        %lt3A_219 = arith.cmpi slt, %select_n3A_212, %lt3A_218 : i32
        %ne3A_220 = arith.xori %lt3A_217, %lt3A_219 : i1
        %and3A_221 = arith.andi %ne3A_220, %ne3A_215 : i1
        %add3A_222 = arith.addi %rem3A_213, %select_n3A_212 : i32
        %select_n3A_223 = arith.select %and3A_221, %add3A_222, %rem3A_213 : i32
        %mul3A_224 = arith.constant 128 : i32
        %mul3A_225 = arith.muli %select_n3A_223, %mul3A_224 : i32
        %dma_start3A_226 = arith.constant 1 : i32
        %dma_start3A_227 = arith.constant 0 : i32
        %dma_start3A_228 = arith.constant 0 : i32
        %dma_start3A_229 = tpu.memref_slice %arg9[%dma_start3A_226, %dma_start3A_227, %dma_start3A_228] : memref<3x128x128xf32, #tpu.memory_space<vmem>> -> memref<1x128x128xf32, #tpu.memory_space<vmem>>
        %dma_start3A_230 = tpu.memref_squeeze %dma_start3A_229 : memref<1x128x128xf32, #tpu.memory_space<vmem>> -> memref<128x128xf32, #tpu.memory_space<vmem>>
        %dma_start3A_231 = arith.constant 0 : i32
        %dma_start3A_232 = tpu.memref_slice %arg5[%select_n3A, %mul3A_225, %dma_start3A_231] : memref<26x4096x128xf32, #tpu.memory_space<hbm>> -> memref<1x128x128xf32, #tpu.memory_space<hbm>>
        %dma_start3A_233 = tpu.memref_squeeze %dma_start3A_232 : memref<1x128x128xf32, #tpu.memory_space<hbm>> -> memref<128x128xf32, #tpu.memory_space<hbm>>
        %dma_start3A_234 = arith.constant 0 : i32
        %dma_start3A_235 = tpu.memref_slice %arg5[%select_n3A, %mul3A_225, %dma_start3A_234] : memref<26x4096x128xf32, #tpu.memory_space<hbm>> -> memref<1x128x128xf32, #tpu.memory_space<hbm>>
        %dma_start3A_236 = tpu.memref_squeeze %dma_start3A_235 : memref<1x128x128xf32, #tpu.memory_space<hbm>> -> memref<128x128xf32, #tpu.memory_space<hbm>>
        %dma_start3A_237 = arith.constant 0 : i32
        %dma_start3A_238 = arith.constant 0 : i32
        %dma_start3A_239 = tpu.memref_slice %arg9[%dma_start3A_226, %dma_start3A_237, %dma_start3A_238] : memref<3x128x128xf32, #tpu.memory_space<vmem>> -> memref<1x128x128xf32, #tpu.memory_space<vmem>>
        %dma_start3A_240 = tpu.memref_squeeze %dma_start3A_239 : memref<1x128x128xf32, #tpu.memory_space<vmem>> -> memref<128x128xf32, #tpu.memory_space<vmem>>
        tpu.enqueue_dma source(%dma_start3A_240 : memref<128x128xf32, #tpu.memory_space<vmem>>) target(%dma_start3A_236 : memref<128x128xf32, #tpu.memory_space<hbm>>) target_semaphore(%arg14 : memref<!tpu.dma_semaphore, #tpu.memory_space<semaphore_mem>>)
      } else {
      }
      %add3A_158 = arith.constant 2 : i32
      %add3A_159 = arith.addi %mul3A_146, %add3A_158 : i32
      %lt3A_160 = arith.constant 26 : i32
      %lt3A_161 = arith.cmpi slt, %add3A_159, %lt3A_160 : i32
      %convert_element_type3A_162 = arith.extui %lt3A_161 : i1 to i32
      %cond3A_163 = arith.constant 0 : i32
      %cond3A_164 = arith.cmpi ne, %convert_element_type3A_162, %cond3A_163 : i32
      scf.if %cond3A_164 {
        %dma_wait3A_166 = arith.constant 0 : i32
        %dma_wait3A_167 = arith.constant 0 : i32
        %dma_wait3A_168 = arith.constant 2 : i32
        %dma_wait3A_169 = arith.constant 0 : i32
        %dma_wait3A_170 = arith.constant 0 : i32
        %dma_wait3A_171 = tpu.memref_slice %arg8[%dma_wait3A_168, %dma_wait3A_169, %dma_wait3A_170] : memref<3x128x128xf32, #tpu.memory_space<vmem>> -> memref<1x128x128xf32, #tpu.memory_space<vmem>>
        %dma_wait3A_172 = tpu.memref_squeeze %dma_wait3A_171 : memref<1x128x128xf32, #tpu.memory_space<vmem>> -> memref<128x128xf32, #tpu.memory_space<vmem>>
        %dma_wait3A_173 = arith.constant 0 : i32
        %dma_wait3A_174 = tpu.memref_slice %arg6[%dma_wait3A_166, %dma_wait3A_167, %dma_wait3A_173] : memref<26x1x128xi32, #tpu.memory_space<vmem>> -> memref<1x1x128xi32, #tpu.memory_space<vmem>>
        %dma_wait3A_175 = tpu.memref_squeeze %dma_wait3A_174 : memref<1x1x128xi32, #tpu.memory_space<vmem>> -> memref<128xi32, #tpu.memory_space<vmem>>
        %dma_wait3A_176 = arith.constant 0 : i32
        %dma_wait3A_177 = arith.constant 0 : i32
        %dma_wait3A_178 = tpu.memref_slice %arg4[%dma_wait3A_176, %dma_wait3A_177] : memref<100000x128xf32, #tpu.memory_space<hbm>> -> memref<100000x128xf32, #tpu.memory_space<hbm>>
        tpu.wait_indirect_dma semaphore(%arg12 : memref<!tpu.dma_semaphore, #tpu.memory_space<semaphore_mem>>) src(%dma_wait3A_178 : memref<100000x128xf32, #tpu.memory_space<hbm>>) dst(%dma_wait3A_172 : memref<128x128xf32, #tpu.memory_space<vmem>>)
        %ge3A = arith.constant 3 : i32
        %ge3A_179 = arith.cmpi sge, %add3A_159, %ge3A : i32
        %convert_element_type3A_180 = arith.extui %ge3A_179 : i1 to i32
        %cond3A_181 = arith.constant 0 : i32
        %cond3A_182 = arith.cmpi ne, %convert_element_type3A_180, %cond3A_181 : i32
        scf.if %cond3A_182 {
          %dma_wait3A_241 = arith.constant 2 : i32
          %dma_wait3A_242 = arith.constant 0 : i32
          %dma_wait3A_243 = arith.constant 0 : i32
          %dma_wait3A_244 = arith.constant 0 : i32
          %dma_wait3A_245 = tpu.memref_slice %arg9[%dma_wait3A_241, %dma_wait3A_243, %dma_wait3A_244] : memref<3x128x128xf32, #tpu.memory_space<vmem>> -> memref<1x128x128xf32, #tpu.memory_space<vmem>>
          %dma_wait3A_246 = tpu.memref_squeeze %dma_wait3A_245 : memref<1x128x128xf32, #tpu.memory_space<vmem>> -> memref<128x128xf32, #tpu.memory_space<vmem>>
          %dma_wait3A_247 = arith.constant 0 : i32
          %dma_wait3A_248 = arith.constant 0 : i32
          %dma_wait3A_249 = tpu.memref_slice %arg5[%dma_wait3A_242, %dma_wait3A_247, %dma_wait3A_248] : memref<26x4096x128xf32, #tpu.memory_space<hbm>> -> memref<1x128x128xf32, #tpu.memory_space<hbm>>
          %dma_wait3A_250 = tpu.memref_squeeze %dma_wait3A_249 : memref<1x128x128xf32, #tpu.memory_space<hbm>> -> memref<128x128xf32, #tpu.memory_space<hbm>>
          %dma_wait3A_251 = arith.constant 0 : i32
          %dma_wait3A_252 = arith.constant 0 : i32
          %dma_wait3A_253 = tpu.memref_slice %arg5[%dma_wait3A_242, %dma_wait3A_251, %dma_wait3A_252] : memref<26x4096x128xf32, #tpu.memory_space<hbm>> -> memref<1x128x128xf32, #tpu.memory_space<hbm>>
          %dma_wait3A_254 = tpu.memref_squeeze %dma_wait3A_253 : memref<1x128x128xf32, #tpu.memory_space<hbm>> -> memref<128x128xf32, #tpu.memory_space<hbm>>
          %dma_wait3A_255 = arith.constant 0 : i32
          %dma_wait3A_256 = arith.constant 0 : i32
          %dma_wait3A_257 = tpu.memref_slice %arg9[%dma_wait3A_241, %dma_wait3A_255, %dma_wait3A_256] : memref<3x128x128xf32, #tpu.memory_space<vmem>> -> memref<1x128x128xf32, #tpu.memory_space<vmem>>
          %dma_wait3A_258 = tpu.memref_squeeze %dma_wait3A_257 : memref<1x128x128xf32, #tpu.memory_space<vmem>> -> memref<128x128xf32, #tpu.memory_space<vmem>>
          tpu.wait_dma2 semaphore(%arg15 : memref<!tpu.dma_semaphore, #tpu.memory_space<semaphore_mem>>) src(%dma_wait3A_258 : memref<128x128xf32, #tpu.memory_space<vmem>>) dst(%dma_wait3A_254 : memref<128x128xf32, #tpu.memory_space<hbm>>)
        } else {
        }
        %parallel_loop3A = arith.constant 0 : i32
        %parallel_loop3A_183 = arith.constant 128 : i32
        %parallel_loop3A_184 = arith.constant 1 : i32
        scf.for %parallel_loop3A_241 = %parallel_loop3A to %parallel_loop3A_183 step %parallel_loop3A_184  : i32 {
          %parallel_loop3A_242 = arith.constant 2 : i32
          %parallel_loop3A_243 = arith.index_cast %parallel_loop3A_242 : i32 to index
          %parallel_loop3A_244 = arith.index_cast %parallel_loop3A_241 : i32 to index
          %parallel_loop3A_245 = arith.constant 0 : index
          %parallel_loop3A_246 = tpu.vector_load %arg8[%parallel_loop3A_243, %parallel_loop3A_244, %parallel_loop3A_245] {strides = array<i32>} : memref<3x128x128xf32, #tpu.memory_space<vmem>>, vector<1x1x16xf32>,
          %parallel_loop3A_247 = vector.shape_cast %parallel_loop3A_246 : vector<1x1x16xf32> to vector<16xf32>
          %parallel_loop3A_248 = arith.mulf %parallel_loop3A_247, %add3A_20 : vector<16xf32>
          %parallel_loop3A_249 = arith.constant 2 : i32
          %parallel_loop3A_250 = arith.index_cast %parallel_loop3A_249 : i32 to index
          %parallel_loop3A_251 = arith.index_cast %parallel_loop3A_241 : i32 to index
          %parallel_loop3A_252 = arith.constant 0 : index
          %parallel_loop3A_253 = tpu.vector_load %arg9[%parallel_loop3A_250, %parallel_loop3A_251, %parallel_loop3A_252] {strides = array<i32>} : memref<3x128x128xf32, #tpu.memory_space<vmem>>, vector<1x1x16xf32>,
          %parallel_loop3A_254 = vector.shape_cast %parallel_loop3A_253 : vector<1x1x16xf32> to vector<16xf32>
          %parallel_loop3A_255 = vector.shape_cast %parallel_loop3A_248 : vector<16xf32> to vector<1x1x16xf32>
          tpu.vector_store %arg9[%parallel_loop3A_250, %parallel_loop3A_251, %parallel_loop3A_252], %parallel_loop3A_255 {strides = array<i32>} : memref<3x128x128xf32, #tpu.memory_space<vmem>>, vector<1x1x16xf32>,
          %parallel_loop3A_256 = arith.constant 2 : i32
          %parallel_loop3A_257 = arith.index_cast %parallel_loop3A_256 : i32 to index
          %parallel_loop3A_258 = arith.index_cast %parallel_loop3A_241 : i32 to index
          %parallel_loop3A_259 = arith.constant 16 : index
          %parallel_loop3A_260 = tpu.vector_load %arg8[%parallel_loop3A_257, %parallel_loop3A_258, %parallel_loop3A_259] {strides = array<i32>} : memref<3x128x128xf32, #tpu.memory_space<vmem>>, vector<1x1x16xf32>,
          %parallel_loop3A_261 = vector.shape_cast %parallel_loop3A_260 : vector<1x1x16xf32> to vector<16xf32>
          %parallel_loop3A_262 = arith.mulf %parallel_loop3A_261, %add3A_25 : vector<16xf32>
          %parallel_loop3A_263 = arith.constant 2 : i32
          %parallel_loop3A_264 = arith.index_cast %parallel_loop3A_263 : i32 to index
          %parallel_loop3A_265 = arith.index_cast %parallel_loop3A_241 : i32 to index
          %parallel_loop3A_266 = arith.constant 16 : index
          %parallel_loop3A_267 = tpu.vector_load %arg9[%parallel_loop3A_264, %parallel_loop3A_265, %parallel_loop3A_266] {strides = array<i32>} : memref<3x128x128xf32, #tpu.memory_space<vmem>>, vector<1x1x16xf32>,
          %parallel_loop3A_268 = vector.shape_cast %parallel_loop3A_267 : vector<1x1x16xf32> to vector<16xf32>
          %parallel_loop3A_269 = vector.shape_cast %parallel_loop3A_262 : vector<16xf32> to vector<1x1x16xf32>
          tpu.vector_store %arg9[%parallel_loop3A_264, %parallel_loop3A_265, %parallel_loop3A_266], %parallel_loop3A_269 {strides = array<i32>} : memref<3x128x128xf32, #tpu.memory_space<vmem>>, vector<1x1x16xf32>,
          %parallel_loop3A_270 = arith.constant 2 : i32
          %parallel_loop3A_271 = arith.index_cast %parallel_loop3A_270 : i32 to index
          %parallel_loop3A_272 = arith.index_cast %parallel_loop3A_241 : i32 to index
          %parallel_loop3A_273 = arith.constant 32 : index
          %parallel_loop3A_274 = tpu.vector_load %arg8[%parallel_loop3A_271, %parallel_loop3A_272, %parallel_loop3A_273] {strides = array<i32>} : memref<3x128x128xf32, #tpu.memory_space<vmem>>, vector<1x1x16xf32>,
          %parallel_loop3A_275 = vector.shape_cast %parallel_loop3A_274 : vector<1x1x16xf32> to vector<16xf32>
          %parallel_loop3A_276 = arith.mulf %parallel_loop3A_275, %add3A_29 : vector<16xf32>
          %parallel_loop3A_277 = arith.constant 2 : i32
          %parallel_loop3A_278 = arith.index_cast %parallel_loop3A_277 : i32 to index
          %parallel_loop3A_279 = arith.index_cast %parallel_loop3A_241 : i32 to index
          %parallel_loop3A_280 = arith.constant 32 : index
          %parallel_loop3A_281 = tpu.vector_load %arg9[%parallel_loop3A_278, %parallel_loop3A_279, %parallel_loop3A_280] {strides = array<i32>} : memref<3x128x128xf32, #tpu.memory_space<vmem>>, vector<1x1x16xf32>,
          %parallel_loop3A_282 = vector.shape_cast %parallel_loop3A_281 : vector<1x1x16xf32> to vector<16xf32>
          %parallel_loop3A_283 = vector.shape_cast %parallel_loop3A_276 : vector<16xf32> to vector<1x1x16xf32>
          tpu.vector_store %arg9[%parallel_loop3A_278, %parallel_loop3A_279, %parallel_loop3A_280], %parallel_loop3A_283 {strides = array<i32>} : memref<3x128x128xf32, #tpu.memory_space<vmem>>, vector<1x1x16xf32>,
          %parallel_loop3A_284 = arith.constant 2 : i32
          %parallel_loop3A_285 = arith.index_cast %parallel_loop3A_284 : i32 to index
          %parallel_loop3A_286 = arith.index_cast %parallel_loop3A_241 : i32 to index
          %parallel_loop3A_287 = arith.constant 48 : index
          %parallel_loop3A_288 = tpu.vector_load %arg8[%parallel_loop3A_285, %parallel_loop3A_286, %parallel_loop3A_287] {strides = array<i32>} : memref<3x128x128xf32, #tpu.memory_space<vmem>>, vector<1x1x16xf32>,
          %parallel_loop3A_289 = vector.shape_cast %parallel_loop3A_288 : vector<1x1x16xf32> to vector<16xf32>
          %parallel_loop3A_290 = arith.mulf %parallel_loop3A_289, %add3A_33 : vector<16xf32>
          %parallel_loop3A_291 = arith.constant 2 : i32
          %parallel_loop3A_292 = arith.index_cast %parallel_loop3A_291 : i32 to index
          %parallel_loop3A_293 = arith.index_cast %parallel_loop3A_241 : i32 to index
          %parallel_loop3A_294 = arith.constant 48 : index
          %parallel_loop3A_295 = tpu.vector_load %arg9[%parallel_loop3A_292, %parallel_loop3A_293, %parallel_loop3A_294] {strides = array<i32>} : memref<3x128x128xf32, #tpu.memory_space<vmem>>, vector<1x1x16xf32>,
          %parallel_loop3A_296 = vector.shape_cast %parallel_loop3A_295 : vector<1x1x16xf32> to vector<16xf32>
          %parallel_loop3A_297 = vector.shape_cast %parallel_loop3A_290 : vector<16xf32> to vector<1x1x16xf32>
          tpu.vector_store %arg9[%parallel_loop3A_292, %parallel_loop3A_293, %parallel_loop3A_294], %parallel_loop3A_297 {strides = array<i32>} : memref<3x128x128xf32, #tpu.memory_space<vmem>>, vector<1x1x16xf32>,
          %parallel_loop3A_298 = arith.constant 2 : i32
          %parallel_loop3A_299 = arith.index_cast %parallel_loop3A_298 : i32 to index
          %parallel_loop3A_300 = arith.index_cast %parallel_loop3A_241 : i32 to index
          %parallel_loop3A_301 = arith.constant 64 : index
          %parallel_loop3A_302 = tpu.vector_load %arg8[%parallel_loop3A_299, %parallel_loop3A_300, %parallel_loop3A_301] {strides = array<i32>} : memref<3x128x128xf32, #tpu.memory_space<vmem>>, vector<1x1x16xf32>,
          %parallel_loop3A_303 = vector.shape_cast %parallel_loop3A_302 : vector<1x1x16xf32> to vector<16xf32>
          %parallel_loop3A_304 = arith.mulf %parallel_loop3A_303, %add3A_36 : vector<16xf32>
          %parallel_loop3A_305 = arith.constant 2 : i32
          %parallel_loop3A_306 = arith.index_cast %parallel_loop3A_305 : i32 to index
          %parallel_loop3A_307 = arith.index_cast %parallel_loop3A_241 : i32 to index
          %parallel_loop3A_308 = arith.constant 64 : index
          %parallel_loop3A_309 = tpu.vector_load %arg9[%parallel_loop3A_306, %parallel_loop3A_307, %parallel_loop3A_308] {strides = array<i32>} : memref<3x128x128xf32, #tpu.memory_space<vmem>>, vector<1x1x16xf32>,
          %parallel_loop3A_310 = vector.shape_cast %parallel_loop3A_309 : vector<1x1x16xf32> to vector<16xf32>
          %parallel_loop3A_311 = vector.shape_cast %parallel_loop3A_304 : vector<16xf32> to vector<1x1x16xf32>
          tpu.vector_store %arg9[%parallel_loop3A_306, %parallel_loop3A_307, %parallel_loop3A_308], %parallel_loop3A_311 {strides = array<i32>} : memref<3x128x128xf32, #tpu.memory_space<vmem>>, vector<1x1x16xf32>,
          %parallel_loop3A_312 = arith.constant 2 : i32
          %parallel_loop3A_313 = arith.index_cast %parallel_loop3A_312 : i32 to index
          %parallel_loop3A_314 = arith.index_cast %parallel_loop3A_241 : i32 to index
          %parallel_loop3A_315 = arith.constant 80 : index
          %parallel_loop3A_316 = tpu.vector_load %arg8[%parallel_loop3A_313, %parallel_loop3A_314, %parallel_loop3A_315] {strides = array<i32>} : memref<3x128x128xf32, #tpu.memory_space<vmem>>, vector<1x1x16xf32>,
          %parallel_loop3A_317 = vector.shape_cast %parallel_loop3A_316 : vector<1x1x16xf32> to vector<16xf32>
          %parallel_loop3A_318 = arith.mulf %parallel_loop3A_317, %add3A_39 : vector<16xf32>
          %parallel_loop3A_319 = arith.constant 2 : i32
          %parallel_loop3A_320 = arith.index_cast %parallel_loop3A_319 : i32 to index
          %parallel_loop3A_321 = arith.index_cast %parallel_loop3A_241 : i32 to index
          %parallel_loop3A_322 = arith.constant 80 : index
          %parallel_loop3A_323 = tpu.vector_load %arg9[%parallel_loop3A_320, %parallel_loop3A_321, %parallel_loop3A_322] {strides = array<i32>} : memref<3x128x128xf32, #tpu.memory_space<vmem>>, vector<1x1x16xf32>,
          %parallel_loop3A_324 = vector.shape_cast %parallel_loop3A_323 : vector<1x1x16xf32> to vector<16xf32>
          %parallel_loop3A_325 = vector.shape_cast %parallel_loop3A_318 : vector<16xf32> to vector<1x1x16xf32>
          tpu.vector_store %arg9[%parallel_loop3A_320, %parallel_loop3A_321, %parallel_loop3A_322], %parallel_loop3A_325 {strides = array<i32>} : memref<3x128x128xf32, #tpu.memory_space<vmem>>, vector<1x1x16xf32>,
          %parallel_loop3A_326 = arith.constant 2 : i32
          %parallel_loop3A_327 = arith.index_cast %parallel_loop3A_326 : i32 to index
          %parallel_loop3A_328 = arith.index_cast %parallel_loop3A_241 : i32 to index
          %parallel_loop3A_329 = arith.constant 96 : index
          %parallel_loop3A_330 = tpu.vector_load %arg8[%parallel_loop3A_327, %parallel_loop3A_328, %parallel_loop3A_329] {strides = array<i32>} : memref<3x128x128xf32, #tpu.memory_space<vmem>>, vector<1x1x16xf32>,
          %parallel_loop3A_331 = vector.shape_cast %parallel_loop3A_330 : vector<1x1x16xf32> to vector<16xf32>
          %parallel_loop3A_332 = arith.mulf %parallel_loop3A_331, %add3A_42 : vector<16xf32>
          %parallel_loop3A_333 = arith.constant 2 : i32
          %parallel_loop3A_334 = arith.index_cast %parallel_loop3A_333 : i32 to index
          %parallel_loop3A_335 = arith.index_cast %parallel_loop3A_241 : i32 to index
          %parallel_loop3A_336 = arith.constant 96 : index
          %parallel_loop3A_337 = tpu.vector_load %arg9[%parallel_loop3A_334, %parallel_loop3A_335, %parallel_loop3A_336] {strides = array<i32>} : memref<3x128x128xf32, #tpu.memory_space<vmem>>, vector<1x1x16xf32>,
          %parallel_loop3A_338 = vector.shape_cast %parallel_loop3A_337 : vector<1x1x16xf32> to vector<16xf32>
          %parallel_loop3A_339 = vector.shape_cast %parallel_loop3A_332 : vector<16xf32> to vector<1x1x16xf32>
          tpu.vector_store %arg9[%parallel_loop3A_334, %parallel_loop3A_335, %parallel_loop3A_336], %parallel_loop3A_339 {strides = array<i32>} : memref<3x128x128xf32, #tpu.memory_space<vmem>>, vector<1x1x16xf32>,
          %parallel_loop3A_340 = arith.constant 2 : i32
          %parallel_loop3A_341 = arith.index_cast %parallel_loop3A_340 : i32 to index
          %parallel_loop3A_342 = arith.index_cast %parallel_loop3A_241 : i32 to index
          %parallel_loop3A_343 = arith.constant 112 : index
          %parallel_loop3A_344 = tpu.vector_load %arg8[%parallel_loop3A_341, %parallel_loop3A_342, %parallel_loop3A_343] {strides = array<i32>} : memref<3x128x128xf32, #tpu.memory_space<vmem>>, vector<1x1x16xf32>,
          %parallel_loop3A_345 = vector.shape_cast %parallel_loop3A_344 : vector<1x1x16xf32> to vector<16xf32>
          %parallel_loop3A_346 = arith.mulf %parallel_loop3A_345, %add3A_45 : vector<16xf32>
          %parallel_loop3A_347 = arith.constant 2 : i32
          %parallel_loop3A_348 = arith.index_cast %parallel_loop3A_347 : i32 to index
          %parallel_loop3A_349 = arith.index_cast %parallel_loop3A_241 : i32 to index
          %parallel_loop3A_350 = arith.constant 112 : index
          %parallel_loop3A_351 = tpu.vector_load %arg9[%parallel_loop3A_348, %parallel_loop3A_349, %parallel_loop3A_350] {strides = array<i32>} : memref<3x128x128xf32, #tpu.memory_space<vmem>>, vector<1x1x16xf32>,
          %parallel_loop3A_352 = vector.shape_cast %parallel_loop3A_351 : vector<1x1x16xf32> to vector<16xf32>
          %parallel_loop3A_353 = vector.shape_cast %parallel_loop3A_346 : vector<16xf32> to vector<1x1x16xf32>
          tpu.vector_store %arg9[%parallel_loop3A_348, %parallel_loop3A_349, %parallel_loop3A_350], %parallel_loop3A_353 {strides = array<i32>} : memref<3x128x128xf32, #tpu.memory_space<vmem>>, vector<1x1x16xf32>,
        } {sc.loop_unroll_factor = 4 : i64, sc.parallel_access}
        %add3A_185 = arith.constant 3 : i32
        %add3A_186 = arith.addi %add3A_159, %add3A_185 : i32
        %lt3A_187 = arith.constant 26 : i32
        %lt3A_188 = arith.cmpi slt, %add3A_186, %lt3A_187 : i32
        %convert_element_type3A_189 = arith.extui %lt3A_188 : i1 to i32
        %cond3A_190 = arith.constant 0 : i32
        %cond3A_191 = arith.cmpi ne, %convert_element_type3A_189, %cond3A_190 : i32
        scf.if %cond3A_191 {
          %add3A_241 = arith.constant 3 : i32
          %add3A_242 = arith.addi %add3A_159, %add3A_241 : i32
          %dma_start3A_243 = arith.constant 0 : i32
          %dma_start3A_244 = arith.constant 2 : i32
          %dma_start3A_245 = arith.constant 0 : i32
          %dma_start3A_246 = arith.constant 0 : i32
          %dma_start3A_247 = tpu.memref_slice %arg8[%dma_start3A_244, %dma_start3A_245, %dma_start3A_246] : memref<3x128x128xf32, #tpu.memory_space<vmem>> -> memref<1x128x128xf32, #tpu.memory_space<vmem>>
          %dma_start3A_248 = tpu.memref_squeeze %dma_start3A_247 : memref<1x128x128xf32, #tpu.memory_space<vmem>> -> memref<128x128xf32, #tpu.memory_space<vmem>>
          %dma_start3A_249 = arith.constant 0 : i32
          %dma_start3A_250 = tpu.memref_slice %arg6[%add3A_242, %dma_start3A_243, %dma_start3A_249] : memref<26x1x128xi32, #tpu.memory_space<vmem>> -> memref<1x1x128xi32, #tpu.memory_space<vmem>>
          %dma_start3A_251 = tpu.memref_squeeze %dma_start3A_250 : memref<1x1x128xi32, #tpu.memory_space<vmem>> -> memref<128xi32, #tpu.memory_space<vmem>>
          %dma_start3A_252 = arith.constant 0 : i32
          %dma_start3A_253 = arith.constant 0 : i32
          %dma_start3A_254 = tpu.memref_slice %arg4[%dma_start3A_252, %dma_start3A_253] : memref<100000x128xf32, #tpu.memory_space<hbm>> -> memref<100000x128xf32, #tpu.memory_space<hbm>>
          tpu.enqueue_indirect_dma source(%dma_start3A_254 : memref<100000x128xf32, #tpu.memory_space<hbm>>) target(%dma_start3A_248 : memref<128x128xf32, #tpu.memory_space<vmem>>) offsets(%dma_start3A_251 : memref<128xi32, #tpu.memory_space<vmem>>) semaphore(%arg12 : memref<!tpu.dma_semaphore, #tpu.memory_space<semaphore_mem>>)
        } else {
        }
        %add3A_192 = arith.addi %mul3A_2, %add3A_159 : i32
        %jit3A = arith.constant 32 : i32
        %div3A = arith.divsi %add3A_192, %jit3A : i32
        %sign3A = arith.constant 0 : i32
        %sign3A_193 = arith.cmpi sgt, %add3A_192, %sign3A : i32
        %sign3A_194 = arith.extui %sign3A_193 : i1 to i32
        %sign3A_195 = arith.constant 0 : i32
        %sign3A_196 = arith.cmpi slt, %add3A_192, %sign3A_195 : i32
        %sign3A_197 = arith.extui %sign3A_196 : i1 to i32
        %sign3A_198 = arith.subi %sign3A_194, %sign3A_197 : i32
        %sign3A_199 = arith.constant 0 : i32
        %sign3A_200 = arith.cmpi sgt, %jit3A, %sign3A_199 : i32
        %sign3A_201 = arith.extui %sign3A_200 : i1 to i32
        %sign3A_202 = arith.constant 0 : i32
        %sign3A_203 = arith.cmpi slt, %jit3A, %sign3A_202 : i32
        %sign3A_204 = arith.extui %sign3A_203 : i1 to i32
        %sign3A_205 = arith.subi %sign3A_201, %sign3A_204 : i32
        %ne3A = arith.cmpi ne, %sign3A_198, %sign3A_205 : i32
        %rem3A = arith.remsi %add3A_192, %jit3A : i32
        %ne3A_206 = arith.constant 0 : i32
        %ne3A_207 = arith.cmpi ne, %rem3A, %ne3A_206 : i32
        %and3A = arith.andi %ne3A, %ne3A_207 : i1
        %sub3A = arith.constant 1 : i32
        %sub3A_208 = arith.subi %div3A, %sub3A : i32
        %select_n3A = arith.select %and3A, %sub3A_208, %div3A : i32
        %jit3A_209 = arith.constant 32 : i32
        %eq3A = arith.constant 0 : i32
        %eq3A_210 = arith.cmpi eq, %jit3A_209, %eq3A : i32
        %jit3A_211 = arith.constant 1 : i32
        %select_n3A_212 = arith.select %eq3A_210, %jit3A_211, %jit3A_209 : i32
        %rem3A_213 = arith.remsi %add3A_192, %select_n3A_212 : i32
        %ne3A_214 = arith.constant 0 : i32
        %ne3A_215 = arith.cmpi ne, %rem3A_213, %ne3A_214 : i32
        %lt3A_216 = arith.constant 0 : i32
        %lt3A_217 = arith.cmpi slt, %rem3A_213, %lt3A_216 : i32
        %lt3A_218 = arith.constant 0 : i32
        %lt3A_219 = arith.cmpi slt, %select_n3A_212, %lt3A_218 : i32
        %ne3A_220 = arith.xori %lt3A_217, %lt3A_219 : i1
        %and3A_221 = arith.andi %ne3A_220, %ne3A_215 : i1
        %add3A_222 = arith.addi %rem3A_213, %select_n3A_212 : i32
        %select_n3A_223 = arith.select %and3A_221, %add3A_222, %rem3A_213 : i32
        %mul3A_224 = arith.constant 128 : i32
        %mul3A_225 = arith.muli %select_n3A_223, %mul3A_224 : i32
        %dma_start3A_226 = arith.constant 2 : i32
        %dma_start3A_227 = arith.constant 0 : i32
        %dma_start3A_228 = arith.constant 0 : i32
        %dma_start3A_229 = tpu.memref_slice %arg9[%dma_start3A_226, %dma_start3A_227, %dma_start3A_228] : memref<3x128x128xf32, #tpu.memory_space<vmem>> -> memref<1x128x128xf32, #tpu.memory_space<vmem>>
        %dma_start3A_230 = tpu.memref_squeeze %dma_start3A_229 : memref<1x128x128xf32, #tpu.memory_space<vmem>> -> memref<128x128xf32, #tpu.memory_space<vmem>>
        %dma_start3A_231 = arith.constant 0 : i32
        %dma_start3A_232 = tpu.memref_slice %arg5[%select_n3A, %mul3A_225, %dma_start3A_231] : memref<26x4096x128xf32, #tpu.memory_space<hbm>> -> memref<1x128x128xf32, #tpu.memory_space<hbm>>
        %dma_start3A_233 = tpu.memref_squeeze %dma_start3A_232 : memref<1x128x128xf32, #tpu.memory_space<hbm>> -> memref<128x128xf32, #tpu.memory_space<hbm>>
        %dma_start3A_234 = arith.constant 0 : i32
        %dma_start3A_235 = tpu.memref_slice %arg5[%select_n3A, %mul3A_225, %dma_start3A_234] : memref<26x4096x128xf32, #tpu.memory_space<hbm>> -> memref<1x128x128xf32, #tpu.memory_space<hbm>>
        %dma_start3A_236 = tpu.memref_squeeze %dma_start3A_235 : memref<1x128x128xf32, #tpu.memory_space<hbm>> -> memref<128x128xf32, #tpu.memory_space<hbm>>
        %dma_start3A_237 = arith.constant 0 : i32
        %dma_start3A_238 = arith.constant 0 : i32
        %dma_start3A_239 = tpu.memref_slice %arg9[%dma_start3A_226, %dma_start3A_237, %dma_start3A_238] : memref<3x128x128xf32, #tpu.memory_space<vmem>> -> memref<1x128x128xf32, #tpu.memory_space<vmem>>
        %dma_start3A_240 = tpu.memref_squeeze %dma_start3A_239 : memref<1x128x128xf32, #tpu.memory_space<vmem>> -> memref<128x128xf32, #tpu.memory_space<vmem>>
        tpu.enqueue_dma source(%dma_start3A_240 : memref<128x128xf32, #tpu.memory_space<vmem>>) target(%dma_start3A_236 : memref<128x128xf32, #tpu.memory_space<hbm>>) target_semaphore(%arg15 : memref<!tpu.dma_semaphore, #tpu.memory_space<semaphore_mem>>)
      } else {
      }
      %scan3A_165 = arith.constant 0 : i32
      scf.yield %scan3A_165 : i32
    }
    %scan3A_89 = arith.constant 9 : i32
    %dma_wait3A = arith.constant 0 : i32
    %dma_wait3A_90 = arith.constant 0 : i32
    %dma_wait3A_91 = arith.constant 0 : i32
    %dma_wait3A_92 = arith.constant 0 : i32
    %dma_wait3A_93 = tpu.memref_slice %arg9[%dma_wait3A, %dma_wait3A_91, %dma_wait3A_92] : memref<3x128x128xf32, #tpu.memory_space<vmem>> -> memref<1x128x128xf32, #tpu.memory_space<vmem>>
    %dma_wait3A_94 = tpu.memref_squeeze %dma_wait3A_93 : memref<1x128x128xf32, #tpu.memory_space<vmem>> -> memref<128x128xf32, #tpu.memory_space<vmem>>
    %dma_wait3A_95 = arith.constant 0 : i32
    %dma_wait3A_96 = arith.constant 0 : i32
    %dma_wait3A_97 = tpu.memref_slice %arg5[%dma_wait3A_90, %dma_wait3A_95, %dma_wait3A_96] : memref<26x4096x128xf32, #tpu.memory_space<hbm>> -> memref<1x128x128xf32, #tpu.memory_space<hbm>>
    %dma_wait3A_98 = tpu.memref_squeeze %dma_wait3A_97 : memref<1x128x128xf32, #tpu.memory_space<hbm>> -> memref<128x128xf32, #tpu.memory_space<hbm>>
    %dma_wait3A_99 = arith.constant 0 : i32
    %dma_wait3A_100 = arith.constant 0 : i32
    %dma_wait3A_101 = tpu.memref_slice %arg5[%dma_wait3A_90, %dma_wait3A_99, %dma_wait3A_100] : memref<26x4096x128xf32, #tpu.memory_space<hbm>> -> memref<1x128x128xf32, #tpu.memory_space<hbm>>
    %dma_wait3A_102 = tpu.memref_squeeze %dma_wait3A_101 : memref<1x128x128xf32, #tpu.memory_space<hbm>> -> memref<128x128xf32, #tpu.memory_space<hbm>>
    %dma_wait3A_103 = arith.constant 0 : i32
    %dma_wait3A_104 = arith.constant 0 : i32
    %dma_wait3A_105 = tpu.memref_slice %arg9[%dma_wait3A, %dma_wait3A_103, %dma_wait3A_104] : memref<3x128x128xf32, #tpu.memory_space<vmem>> -> memref<1x128x128xf32, #tpu.memory_space<vmem>>
    %dma_wait3A_106 = tpu.memref_squeeze %dma_wait3A_105 : memref<1x128x128xf32, #tpu.memory_space<vmem>> -> memref<128x128xf32, #tpu.memory_space<vmem>>
    tpu.wait_dma2 semaphore(%arg13 : memref<!tpu.dma_semaphore, #tpu.memory_space<semaphore_mem>>) src(%dma_wait3A_106 : memref<128x128xf32, #tpu.memory_space<vmem>>) dst(%dma_wait3A_102 : memref<128x128xf32, #tpu.memory_space<hbm>>)
    %dma_wait3A_107 = arith.constant 1 : i32
    %dma_wait3A_108 = arith.constant 0 : i32
    %dma_wait3A_109 = arith.constant 0 : i32
    %dma_wait3A_110 = arith.constant 0 : i32
    %dma_wait3A_111 = tpu.memref_slice %arg9[%dma_wait3A_107, %dma_wait3A_109, %dma_wait3A_110] : memref<3x128x128xf32, #tpu.memory_space<vmem>> -> memref<1x128x128xf32, #tpu.memory_space<vmem>>
    %dma_wait3A_112 = tpu.memref_squeeze %dma_wait3A_111 : memref<1x128x128xf32, #tpu.memory_space<vmem>> -> memref<128x128xf32, #tpu.memory_space<vmem>>
    %dma_wait3A_113 = arith.constant 0 : i32
    %dma_wait3A_114 = arith.constant 0 : i32
    %dma_wait3A_115 = tpu.memref_slice %arg5[%dma_wait3A_108, %dma_wait3A_113, %dma_wait3A_114] : memref<26x4096x128xf32, #tpu.memory_space<hbm>> -> memref<1x128x128xf32, #tpu.memory_space<hbm>>
    %dma_wait3A_116 = tpu.memref_squeeze %dma_wait3A_115 : memref<1x128x128xf32, #tpu.memory_space<hbm>> -> memref<128x128xf32, #tpu.memory_space<hbm>>
    %dma_wait3A_117 = arith.constant 0 : i32
    %dma_wait3A_118 = arith.constant 0 : i32
    %dma_wait3A_119 = tpu.memref_slice %arg5[%dma_wait3A_108, %dma_wait3A_117, %dma_wait3A_118] : memref<26x4096x128xf32, #tpu.memory_space<hbm>> -> memref<1x128x128xf32, #tpu.memory_space<hbm>>
    %dma_wait3A_120 = tpu.memref_squeeze %dma_wait3A_119 : memref<1x128x128xf32, #tpu.memory_space<hbm>> -> memref<128x128xf32, #tpu.memory_space<hbm>>
    %dma_wait3A_121 = arith.constant 0 : i32
    %dma_wait3A_122 = arith.constant 0 : i32
    %dma_wait3A_123 = tpu.memref_slice %arg9[%dma_wait3A_107, %dma_wait3A_121, %dma_wait3A_122] : memref<3x128x128xf32, #tpu.memory_space<vmem>> -> memref<1x128x128xf32, #tpu.memory_space<vmem>>
    %dma_wait3A_124 = tpu.memref_squeeze %dma_wait3A_123 : memref<1x128x128xf32, #tpu.memory_space<vmem>> -> memref<128x128xf32, #tpu.memory_space<vmem>>
    tpu.wait_dma2 semaphore(%arg14 : memref<!tpu.dma_semaphore, #tpu.memory_space<semaphore_mem>>) src(%dma_wait3A_124 : memref<128x128xf32, #tpu.memory_space<vmem>>) dst(%dma_wait3A_120 : memref<128x128xf32, #tpu.memory_space<hbm>>)
    %dma_wait3A_125 = arith.constant 2 : i32
    %dma_wait3A_126 = arith.constant 0 : i32
    %dma_wait3A_127 = arith.constant 0 : i32
    %dma_wait3A_128 = arith.constant 0 : i32
    %dma_wait3A_129 = tpu.memref_slice %arg9[%dma_wait3A_125, %dma_wait3A_127, %dma_wait3A_128] : memref<3x128x128xf32, #tpu.memory_space<vmem>> -> memref<1x128x128xf32, #tpu.memory_space<vmem>>
    %dma_wait3A_130 = tpu.memref_squeeze %dma_wait3A_129 : memref<1x128x128xf32, #tpu.memory_space<vmem>> -> memref<128x128xf32, #tpu.memory_space<vmem>>
    %dma_wait3A_131 = arith.constant 0 : i32
    %dma_wait3A_132 = arith.constant 0 : i32
    %dma_wait3A_133 = tpu.memref_slice %arg5[%dma_wait3A_126, %dma_wait3A_131, %dma_wait3A_132] : memref<26x4096x128xf32, #tpu.memory_space<hbm>> -> memref<1x128x128xf32, #tpu.memory_space<hbm>>
    %dma_wait3A_134 = tpu.memref_squeeze %dma_wait3A_133 : memref<1x128x128xf32, #tpu.memory_space<hbm>> -> memref<128x128xf32, #tpu.memory_space<hbm>>
    %dma_wait3A_135 = arith.constant 0 : i32
    %dma_wait3A_136 = arith.constant 0 : i32
    %dma_wait3A_137 = tpu.memref_slice %arg5[%dma_wait3A_126, %dma_wait3A_135, %dma_wait3A_136] : memref<26x4096x128xf32, #tpu.memory_space<hbm>> -> memref<1x128x128xf32, #tpu.memory_space<hbm>>
    %dma_wait3A_138 = tpu.memref_squeeze %dma_wait3A_137 : memref<1x128x128xf32, #tpu.memory_space<hbm>> -> memref<128x128xf32, #tpu.memory_space<hbm>>
    %dma_wait3A_139 = arith.constant 0 : i32
    %dma_wait3A_140 = arith.constant 0 : i32
    %dma_wait3A_141 = tpu.memref_slice %arg9[%dma_wait3A_125, %dma_wait3A_139, %dma_wait3A_140] : memref<3x128x128xf32, #tpu.memory_space<vmem>> -> memref<1x128x128xf32, #tpu.memory_space<vmem>>
    %dma_wait3A_142 = tpu.memref_squeeze %dma_wait3A_141 : memref<1x128x128xf32, #tpu.memory_space<vmem>> -> memref<128x128xf32, #tpu.memory_space<vmem>>
    tpu.wait_dma2 semaphore(%arg15 : memref<!tpu.dma_semaphore, #tpu.memory_space<semaphore_mem>>) src(%dma_wait3A_142 : memref<128x128xf32, #tpu.memory_space<vmem>>) dst(%dma_wait3A_138 : memref<128x128xf32, #tpu.memory_space<hbm>>)
    return
  }
}

</mosaic_0001>

<sc_bundles>
// kernel: kernel.3.cloned.1.call-start
scs
__scs_entry_jumppad:
0x0: {  	(pc) =	sbr.rel $0x88, $3  }
0x1: {  	(tag) =	ssettag $0x0;
	lr =	simm.s32 $0x1  }
0x2: {  	[smem:$0x3F9E] =	sst lr;
	_ =	strace $0xD0000000  }
0x3: {  	_ = 	snop  }
0x4: {  	_ = 	snop  }
0x5: {  	_ = 	snop  }
0x6: {  	_ = 	snop  }
0x7: {  	_ = 	snop  }
__scs_overlays_trampoline_lowered:
0x8: {  	[smem:$0x3FAD] =	sst s0  }
0x9: {  	[smem:$0x3FAE] =	sst s1  }
0xa: {  	[smem:$0x3FAF] =	sst s2  }
0xb: {  	[smem:$0x3FB0] =	sst s3  }
0xc: {  	[smem:$0x3FB1] =	sst s4  }
0xd: {  	[smem:$0x3FB2] =	sst s5  }
0xe: {  	[smem:$0x3FB3] =	sst s6  }
0xf: {  	[smem:$0x3FB4] =	sst s7  }
0x10: {  	[smem:$0x3FB5] =	sst s8  }
0x11: {  	[smem:$0x3FB6] =	sst s9;
	s0 =	simm.s32 @!p0 $0x0  }
0x12: {  	s1 =	sld [smem:$0x3F9C];
	s0 =	simm.s32 @p0 $0x1  }
0x13: {  	[smem:$0x3FB7] =	sst s0;
	s0 =	simm.s32 @!p1 $0x0  }
0x14: {  	s2 =	sld [smem:$0x3F9B];
	s0 =	simm.s32 @p1 $0x1  }
0x15: {  	[smem:$0x3FB8] =	sst s0;
	s0 =	simm.s32 @!p2 $0x0  }
0x16: {  	s3 =	sld [smem:$0x3FDB];
	s0 =	simm.s32 @p2 $0x1  }
0x17: {  	s4 =	simm.s32 $0x1BF5;
	[smem:$0x3FBA] =	sst s0  }
0x18: {  	s0 =	sld [smem:$0x3F9D];
	_ =	swait.ge [sflag:s4], $0x0  }
0x19: {  	s7 =	sld [smem:$0x3F9E]  }
0x1a: {  	s8 =	sadd.s32 $0xFFFFE003, lr  }
0x1b: {  	s9 =	sadd.s32 $0xFFFFFEF7, lr;
	s5 =	simm.s32 $0xFFFFFFFF;
	p2 =	slt.u32 s8, $0xFFFFF086  }
0x1c: {  	p1 =	slt.u32 s9, $0xF7A;
	s5 =	simm.s32 @!p2 $0x0  }
0x1d: {  	s5 =	simm.s32 @p1 $0x1;
	p0 =	seq.s32 s7, s2  }
0x1e: {  	s7 =	smul.u32 @!p0 $0xF7A, s2;
	p2 =	seq.s32 @!p0 s5, $0x0  }
0x1f: {  	s9 =	smul.u32 $0xF7A, s1;
	s8 =	simm.s32 @!p0 $0x1BF5;
	p2 =	por !p2, p0  }
0x20: {  	[sflag:s8] =	ssyncset.s32 @!p0 $0xFFFFF086;
	s6 =	sadd.s32 @!p0 s3, s7;
	s7 =	simm.s32 @!p0 $0x108  }
0x21: {  	s3 =	sadd.s32 s3, s9;
	s6 =	sadd.s32 @!p0 $0x88, s6;
	s7 =	simm.s32 @p2 $0x1082  }
0x22: {  	[simem:s7], [sflag:s8] =	dma.local @!p0 [hbm:s6], $0xF7A  }
0x23: {  	s9 =	sor.u32 $0xD0000000, s2;
	s6 =	simm.s32 $0x108;
	_ =	swait.ge @!p0 [sflag:s8], $0x0  }
0x24: {  	s3 =	sadd.s32 $0x88, s3;
	s6 =	simm.s32 @!p1 $0x1082;
	[sflag:s4] =	ssyncset.s32 $0xFFFFF086  }
0x25: {  	[simem:s6], [sflag:s4] =	dma.local [hbm:s3], $0xF7A  }
0x26: {  	[smem:$0x3F9E] =	sst s1;
	(tag) =	ssettag s2;
	_ =	strace s9  }
0x27: {  	s1 =	sld [smem:$0x3FAE]  }
0x28: {  	s2 =	sld [smem:$0x3FAF]  }
0x29: {  	s4 =	sld [smem:$0x3FB1]  }
0x2a: {  	p0 =	seq.s32 s5, $0x0;
	s5 =	sld [smem:$0x3FB2]  }
0x2b: {  	s6 =	sld [smem:$0x3FB3]  }
0x2c: {  	s7 =	sld [smem:$0x3FB4]  }
0x2d: {  	s3 =	simm.s32 $0x108;
	s8 =	sld [smem:$0x3FB5]  }
0x2e: {  	s3 =	simm.s32 @!p0 $0x1082;
	s9 =	sld [smem:$0x3FB6]  }
0x2f: {  	lr =	sadd.s32 s0, s3;
	s0 =	sld [smem:$0x3FAD]  }
0x30: {  	s3 =	sld [smem:$0x3FB0]  }
0x31: {  	[smem:$0x3FB9] =	sst s10  }
0x32: {  	s10 =	sld [smem:$0x3FB7];
	_ =	sdelay $0x3  }
0x33: {  	p0 =	seq.s32 s10, $0x1;
	s10 =	sld [smem:$0x3FB9];
	_ =	sdelay $0x3  }
0x34: {  	[smem:$0x3FB9] =	sst s10  }
0x35: {  	s10 =	sld [smem:$0x3FB8];
	_ =	sdelay $0x3  }
0x36: {  	p1 =	seq.s32 s10, $0x1;
	s10 =	sld [smem:$0x3FB9];
	_ =	sdelay $0x3  }
0x37: {  	[smem:$0x3FB9] =	sst s10  }
0x38: {  	s10 =	sld [smem:$0x3FBA]  }
0x39: {  	_ = 	snop;
	(pc) =	sbr.ind lr, $3  }
0x3a: {  	_ = 	snop  }
0x3b: {  	_ = 	snop  }
0x3c: {  	p2 =	seq.s32 s10, $0x1;
	s10 =	sld [smem:$0x3FB9]  }
0x3d: {  	_ =	shalt  }
0x3e: {  	_ =	shalt  }
0x3f: {  	_ =	shalt  }
0x40: {  	_ =	shalt  }
0x41: {  	_ =	shalt  }
0x42: {  	_ =	shalt  }
0x43: {  	_ =	shalt  }
0x44: {  	_ =	shalt  }
0x45: {  	_ =	shalt  }
0x46: {  	_ =	shalt  }
0x47: {  	_ =	shalt  }
0x48: {  	_ =	shalt  }
0x49: {  	_ =	shalt  }
0x4a: {  	_ =	shalt  }
0x4b: {  	_ =	shalt  }
0x4c: {  	_ =	shalt  }
0x4d: {  	_ =	shalt  }
0x4e: {  	_ =	shalt  }
0x4f: {  	_ =	shalt  }
0x50: {  	_ =	shalt  }
0x51: {  	_ =	shalt  }
0x52: {  	_ =	shalt  }
0x53: {  	_ =	shalt  }
0x54: {  	_ =	shalt  }
0x55: {  	_ =	shalt  }
0x56: {  	_ =	shalt  }
0x57: {  	_ =	shalt  }
0x58: {  	_ =	shalt  }
0x59: {  	_ =	shalt  }
0x5a: {  	_ =	shalt  }
0x5b: {  	_ =	shalt  }
0x5c: {  	_ =	shalt  }
0x5d: {  	_ =	shalt  }
0x5e: {  	_ =	shalt  }
0x5f: {  	_ =	shalt  }
0x60: {  	_ =	shalt  }
0x61: {  	_ =	shalt  }
0x62: {  	_ =	shalt  }
0x63: {  	_ =	shalt  }
0x64: {  	_ =	shalt  }
0x65: {  	_ =	shalt  }
0x66: {  	_ =	shalt  }
0x67: {  	_ =	shalt  }
0x68: {  	_ =	shalt  }
0x69: {  	_ =	shalt  }
0x6a: {  	_ =	shalt  }
0x6b: {  	_ =	shalt  }
0x6c: {  	_ =	shalt  }
0x6d: {  	_ =	shalt  }
0x6e: {  	_ =	shalt  }
0x6f: {  	_ =	shalt  }
0x70: {  	_ =	shalt  }
0x71: {  	_ =	shalt  }
0x72: {  	_ =	shalt  }
0x73: {  	_ =	shalt  }
0x74: {  	_ =	shalt  }
0x75: {  	_ =	shalt  }
0x76: {  	_ =	shalt  }
0x77: {  	_ =	shalt  }
0x78: {  	_ =	shalt  }
0x79: {  	_ =	shalt  }
0x7a: {  	_ =	shalt  }
0x7b: {  	_ =	shalt  }
0x7c: {  	_ =	shalt  }
0x7d: {  	_ =	shalt  }
0x7e: {  	_ =	shalt  }
0x7f: {  	_ =	shalt  }
0x80: {  	_ =	shalt  }
0x81: {  	_ =	shalt  }
0x82: {  	_ =	shalt  }
0x83: {  	_ =	shalt  }
0x84: {  	_ =	shalt  }
0x85: {  	_ =	shalt  }
0x86: {  	_ =	shalt  }
0x87: {  	_ =	shalt  }
.Lfunc_end0:
.L_simem_size_0:
called_computation_lowered:
.L_overlay_start_0:
0x88: {  	s2 =	sld [smem:$0x3FD9]  }
0x89: {  	s3 =	sld [smem:$0x3FFE];
	_ =	sdelay $0x1  }
0x8a: {  	s1 =	srdreg.scid  }
0x8b: {  	s0 =	sand.u32 $0x1, s1  }
0x8c: {  	s17 =	sshll.u32 s0, $0xA;
	s2 =	sadd.s32 s3, s2  }
0x8d: {  	s2 =	sadd.s32 s2, s17  }
0x8e: {  	[smem:$0x3FC5] =	sst s2  }
0x8f: {  	_ = 	snop  }
0x90: {  	s2 =	sld [smem:$0x3FC7]  }
0x91: {  	s18 =	sld [smem:$0x3FD0];
	(tm) =	ssettm $0x1  }
0x92: {  	s4 =	sld [smem:$0x3FFB];
	_ =	sdelay $0x3  }
0x93: {  	_ =	strace s4  }
0x94: {  	s4 =	sld [smem:$0x3FFC];
	_ =	sdelay $0x3  }
0x95: {  	_ =	strace s4  }
0x96: {  	s4 =	sld [smem:$0x3FFD];
	_ =	sdelay $0x3  }
0x97: {  	_ =	strace s4  }
0x98: {  	_ =	strace $0x8FFFFFFF  }
0x99: {  	s19 =	sld [smem:$0x3FDB];
	_ =	sdelay $0x1  }
0x9a: {  	s5 =	simm.s32 $_scs_section_size  }
0x9b: {  	s6 =	simm.s32 $_size__tile_overlayer_lowered;
	s7 =	simm.s32 $_tile_overlayer_lowered  }
0x9c: {  	s22 =	simm.s32 $0x1BFF;
	s21 =	sshll.u32 s7, $0x1;
	s4 =	sadd.s32 s5, s19  }
0x9d: {  	s8 =	simm.s32 $0x0;
	s20 =	sshll.u32 s6, $0x1;
	s6 =	sadd.s32 s21, s4  }
0x9e: {  	[timem:s8], [sflag:s22] =	dma.local [hbm:s6], s20  }
0x9f: {  	_ =	swait.ge [sflag:s22], s20  }
0xa0: {  	s5 =	ssub.s32 $0x0, s20;
	[sflag:s22] =	ssyncset.done $0x0  }
0xa1: {  	[sflag:s22] =	ssyncadd.s32 s5;
	_ =	sdelay $0x1  }
0xa2: {  	s23 =	simm.s32 $0x1B8B  }
0xa3: {  	_ =	swait.ge [sflag:s23], $0x1  }
0xa4: {  	[sflag:s23] =	ssyncset.done $0x0  }
0xa5: {  	s25 =	simm.s32 $0x1B8E;
	s24 =	sld [smem:$0x3FFE];
	[sflag:s23] =	ssyncadd.s32 $0xFFFFFFFF  }
0xa6: {  	s26 =	simm.s32 $execute0_lowered;
	[smem:$0x3FD2] =	sst s25  }
0xa7: {  	s6 =	sshll.u32 s26, $0x1;
	_ =	strace $0x80000046;
	[dreg:$0x1] =	wrdreg $0xFFFFFFFF  }
0xa8: {  	s28 =	simm.s32 $_size_execute0_lowered;
	s4 =	sadd.s32 s4, s6;
	[dreg:$0x0] =	wrdreg $0x0  }
0xa9: {  	s6 =	sshll.u32 s28, $0x1;
	[dreg:$0x2] =	wrdreg s4  }
0xaa: {  	[dreg:$0x3] =	wrdreg s6  }
0xab: {  	[dreg:$0x4] =	wrdreg $0xC0  }
0xac: {  	_ =	task [dreg:s8], $0x5FFFF  }
0xad: {  	[dreg:$0x1] =	wrdreg $0xFFFFFFFF  }
0xae: {  	[dreg:$0x0] =	wrdreg $0x60  }
0xaf: {  	[dreg:$0x2] =	wrdreg s24  }
0xb0: {  	[dreg:$0x3] =	wrdreg s2  }
0xb1: {  	[dreg:$0x4] =	wrdreg s18  }
0xb2: {  	[dreg:$0x5] =	wrdreg $0x9  }
0xb3: {  	_ =	task.clear_ibuf [dreg:s8], $0x6FFFF;
	_ =	strace $0x90000046  }
0xb4: {  	s29 =	simm.s32 $0x9;
	_ =	strace $0x80000048  }
0xb5: {  	_ =	swait.ge [sflag:s29], $0x1  }
0xb6: {  	[sflag:s29] =	ssyncadd.s32 $0xFFFFFFFF  }
0xb7: {  	_ =	strace $0x90000048  }
0xb8: {  	_ =	sfence  }
0xb9: {  	s30 =	sld [smem:$0x0];
	_ =	sdelay $0x2  }
0xba: {  	s31 =	sshll.u32 s1, $0xD;
	s1 =	sshrl.u32 s1, $0x2  }
0xbb: {  	s3 =	sand.u32 $0x4000, s31;
	s1 =	sadd.s32 s1, s30  }
0xbc: {  	s0 =	sor.u32 s3, s0;
	s1 =	sshll.u32 s1, $0x11  }
0xbd: {  	s0 =	sor.u32 s1, s0  }
0xbe: {  	s0 =	sadd.s32 $0x8F2B, s0  }
0xbf: {  	[sflag:s0] =	ssyncadd.remote.s32 $0x1  }
0xc0: {  	_ =	sfence.sel $0xFFFF  }
0xc1: {  	[dreg:$0x0] =	wrdreg $0xFFFFFFFF;
	(pc) =	sbr.abs _section_cstart, $3  }
0xc2: {  	[dreg:$0x1] =	wrdreg $0xFFFFFFFF  }
0xc3: {  	_ =	task.clear_ibuf [dreg:s8], $0x2FFFF;
	_ =	strace $0x9FFFFFFF  }
0xc4: {  	(tm) =	ssettm $0x7FFFFFFF  }
0xc5: {  	_ =	shalt  }
tec
execute0_lowered:
.L_overlay_start_1:
0x0: {  	(tag) =	ssettag $0x1  }
0x1: {  	s0 =	rddreg [dreg:$0x0]  }
0x2: {  	s2 =	rddreg [dreg:$0x1]  }
0x3: {  	s1 =	srdreg.scid;
	s4 =	stileid.u32  }
0x4: {  	s3 =	rddreg [dreg:$0x2];
	s11 =	simm.s32 $0x7;
	s12 =	simm.s32 $0x80  }
0x5: {  	s14 =	simm.s32 $0x4D80;
	s15 =	simm.s32 $0x100;
	s16 =	simm.s32 $0x8D80  }
0x6: {  	s17 =	simm.s32 $0x1;
	s18 =	simm.s32 $0xCD80;
	s19 =	simm.s32 $0x2  }
0x7: {  	s20 =	simm.s32 $0x10D80;
	s21 =	simm.s32 $0x4;
	s22 =	simm.s32 $0x5  }
0x8: {  	s23 =	simm.s32 $0x6;
	s24 =	simm.s32 $0x3;
	s25 =	simm.s32 $0x14D80  }
0x9: {  	s26 =	simm.s32 $0x0;
	s1 =	sand.u32 $0x1, s1;
	s5 =	sshll.u32 s4, $0x1  }
.Ltmp0:
0xa: {  	s4 =	simm.s32 $0x0;
	s5 =	sor.u32 s1, s5;
	(pc) =	sbr.rel .LBB2_1-.Ltmp0, $4  }
0xb: {  	[smem:$0x7FF] =	sst s4;
	s1 =	ssub.s32 $0x2, s1;
	s6 =	smul.u32 $0x1A0, s5  }
0xc: {  	_ =	strace $0x80000047;
	s5 =	smul.u32 $0x1A, s5;
	s31 =	sshrl.u32 s1, $0x1  }
0xd: {  	s7 =	sadd.s32 s6, s0;
	s6 =	sadd.s32 $0x3800, s0;
	s0 =	ssub.s32 s1, s31  }
0xe: {  	s8 =	sadd.s32 $0x2, s5;
	s7 =	sadd.s32 $0x400, s7;
	s9 =	smax.u32 s0, $0x1  }
.LBB2_12:
0xf: {  	s0 =	sadd.s32 s5, s30  }
0x10: {  	s0 =	sshll.u32 s0, $0xB  }
0x11: {  	s0 =	sand.u32 $0xFFFF800, s0  }
0x12: {  	s0 =	sadd.s32 s3, s0  }
0x13: {  	[hbm4b:s0+s4] =	stream.linear.scatter [tilespmem:s20], [sflag:$0x5], $0x4000, $0x38;
	[tilespmem:$0x18D80] =	vst v63  }
.LBB2_10:
0x14: {  	_ =	swait.ge [sflag:s21], $0x4000  }
0x15: {  	[sflag:s21] =	ssyncset.done $0x0  }
0x16: {  	s26 =	sadd.s32 $0x1, s26;
	[sflag:s21] =	ssyncadd.s32 $0xFFFFC000  }
0x17: {  	p0 =	sne.s32 s26, s9;
	_ =	swait.ge [sflag:s22], $0x4000  }
.Ltmp1:
0x18: {  	[sflag:s22] =	ssyncset.done $0x0;
	(pc) =	sbr.rel @!p0 .LBB2_11-.Ltmp1, $4  }
0x19: {  	[sflag:s22] =	ssyncadd.s32 $0xFFFFC000  }
0x1a: {  	_ =	swait.ge [sflag:s23], $0x4000  }
0x1b: {  	[sflag:s23] =	ssyncset.done $0x0  }
0x1c: {  	[sflag:s23] =	ssyncadd.s32 $0xFFFFC000  }
.LBB2_1:
0x1d: {  	s0 =	simm.s32 $0xD00  }
0x1e: {  	[tilespmem:s0], [sflag:$0x7] =	stream.linear.gather [hbm4b:s6+s4], $0x80, $0x38;
	[tilespmem:$0x18D80] =	vst v63  }
0x1f: {  	_ =	swait.ge [sflag:s11], $0x80  }
0x20: {  	[sflag:s11] =	ssyncset.done $0x0  }
0x21: {  	[sflag:s11] =	ssyncadd.s32 $0xFFFFFF80  }
0x22: {  	[tilespmem:s4], [sflag:$0x7] =	stream.linear.gather [hbm4b:s7+s4], $0xD00, $0x38;
	[tilespmem:$0x18D80] =	vst v63  }
0x23: {  	_ =	swait.ge [sflag:s11], $0xD00  }
0x24: {  	[sflag:s11] =	ssyncset.done $0x0  }
0x25: {  	[sflag:s11] =	ssyncadd.s32 $0xFFFFF300  }
0x26: {  	v0 =	vld [tilespmem:$0xD00];
	_ =	sdelay $0x4  }
0x27: {  	v1 =	vadd.f32 $0.0e+00, v0;
	_ =	sdelay $0x1  }
0x28: {  	s31 =	simm.s32 $0xD80;
	v2 =	vbroadcast v0, $0x1;
	v1 =	vbroadcast v1, $0x0  }
0x29: {  	[tilespmem:s31], [sflag:$0x1] =	stream.indirect.gather [hbm4b:s2+s12], $0x80, s4, s12, $0xb8;
	[tilespmem:$0x18D80] =	vst v63  }
0x2a: {  	v3 =	vbroadcast v0, $0x2;
	v0 =	vadd.f32 v1, v2;
	v1 =	vadd.f32 $0.0e+00, v2  }
0x2b: {  	[tilespmem:s14], [sflag:$0x2] =	stream.indirect.gather [hbm4b:s2+s12], $0x80, s12, s12, $0xb8;
	[tilespmem:$0x18D80] =	vst v63  }
0x2c: {  	s28 =	simm.s32 $0x0;
	v0 =	vadd.f32 v0, v3;
	v1 =	vadd.f32 v1, v3  }
0x2d: {  	[tilespmem:s16], [sflag:$0x3] =	stream.indirect.gather [hbm4b:s2+s12], $0x80, s15, s12, $0xb8;
	v2 =	vadd.f32 $0.0e+00, v3;
	[tilespmem:$0x18D80] =	vst v63  }
.LBB2_2:
0x2e: {  	_ =	swait.ge [sflag:s17], $0x4000  }
0x2f: {  	p0 =	seq.s32 s28, $0x0;
	[sflag:s17] =	ssyncset.done $0x0  }
0x30: {  	s0 =	simm.s32 @!p0 $0x4;
	[sflag:s17] =	ssyncadd.s32 $0xFFFFC000  }
0x31: {  	_ =	swait.ge @!p0 [sflag:s0], $0x4000  }
0x32: {  	[sflag:s0] =	ssyncset.done @!p0 $0x0  }
0x33: {  	s13 =	simm.s32 $0xE80;
	[sflag:s0] =	ssyncadd.s32 @!p0 $0xFFFFC000  }
0x34: {  	v3 =	vld [tilespmem:s13+$0x80];
	_ =	sdelay $0x3  }
0x35: {  	v4 =	vld [tilespmem:s13+$0xFFFFFF00]  }
0x36: {  	v5 =	vld [tilespmem:s13+$0xFFFFFF80];
	v3 =	vmul.f32 v3, v0  }
0x37: {  	s30 =	simm.s32 $0xCE80;
	v6 =	vld [tilespmem:s13+$0x0]  }
0x38: {  	[tilespmem:s30+$0x80] =	vst v3  }
0x39: {  	v3 =	vld [tilespmem:s13+$0x90]  }
0x3a: {  	v4 =	vmul.f32 v4, v0  }
0x3b: {  	v5 =	vmul.f32 v5, v0  }
0x3c: {  	v6 =	vmul.f32 v6, v0;
	[tilespmem:s30+$0xFFFFFF00] =	vst v4  }
0x3d: {  	[tilespmem:s30+$0xFFFFFF80] =	vst v5;
	v4 =	vld [tilespmem:s13+$0xFFFFFF10]  }
0x3e: {  	[tilespmem:s30+$0x0] =	vst v6;
	v5 =	vld [tilespmem:s13+$0xFFFFFF90];
	v3 =	vmul.f32 v3, v0  }
0x3f: {  	v6 =	vld [tilespmem:s13+$0x10]  }
0x40: {  	[tilespmem:s30+$0x90] =	vst v3  }
0x41: {  	v3 =	vld [tilespmem:s13+$0xA0]  }
0x42: {  	v4 =	vmul.f32 v4, v0  }
0x43: {  	v5 =	vmul.f32 v5, v0  }
0x44: {  	v6 =	vmul.f32 v6, v0;
	[tilespmem:s30+$0xFFFFFF10] =	vst v4  }
0x45: {  	[tilespmem:s30+$0xFFFFFF90] =	vst v5;
	v4 =	vld [tilespmem:s13+$0xFFFFFF20]  }
0x46: {  	[tilespmem:s30+$0x10] =	vst v6;
	v5 =	vld [tilespmem:s13+$0xFFFFFFA0];
	v3 =	vmul.f32 v3, v1  }
0x47: {  	v6 =	vld [tilespmem:s13+$0x20]  }
0x48: {  	[tilespmem:s30+$0xA0] =	vst v3  }
0x49: {  	v3 =	vld [tilespmem:s13+$0xB0]  }
0x4a: {  	v4 =	vmul.f32 v4, v1  }
0x4b: {  	v5 =	vmul.f32 v5, v1  }
0x4c: {  	v6 =	vmul.f32 v6, v1;
	[tilespmem:s30+$0xFFFFFF20] =	vst v4  }
0x4d: {  	[tilespmem:s30+$0xFFFFFFA0] =	vst v5;
	v4 =	vld [tilespmem:s13+$0xFFFFFF30]  }
0x4e: {  	[tilespmem:s30+$0x20] =	vst v6;
	v5 =	vld [tilespmem:s13+$0xFFFFFFB0];
	v3 =	vmul.f32 v3, v1  }
0x4f: {  	s31 =	simm.s32 $0x1080;
	v6 =	vld [tilespmem:s13+$0x30]  }
0x50: {  	[tilespmem:s30+$0xB0] =	vst v3;
	v3 =	vld [tilespmem:s31+$0x80]  }
0x51: {  	v7 =	vld [tilespmem:s13+$0xC0]  }
0x52: {  	v8 =	vld [tilespmem:s31+$0xFFFFFF80];
	v4 =	vmul.f32 v4, v1  }
0x53: {  	v9 =	vld [tilespmem:s31+$0x0];
	v5 =	vmul.f32 v5, v1  }
0x54: {  	v6 =	vmul.f32 v6, v1;
	[tilespmem:s30+$0xFFFFFF30] =	vst v4;
	v4 =	vld [tilespmem:s31+$0xFFFFFF00]  }
0x55: {  	[tilespmem:s30+$0xFFFFFFB0] =	vst v5;
	v5 =	vld [tilespmem:s13+$0xFFFFFF40];
	v3 =	vmul.f32 v3, v0  }
0x56: {  	s1 =	simm.s32 $0xD080;
	[tilespmem:s30+$0x30] =	vst v6;
	v6 =	vld [tilespmem:s13+$0xFFFFFFC0];
	v7 =	vmul.f32 v7, v2  }
0x57: {  	v8 =	vmul.f32 v8, v0;
	[tilespmem:s1+$0x80] =	vst v3;
	v3 =	vld [tilespmem:s13+$0x40]  }
0x58: {  	v9 =	vmul.f32 v9, v0;
	v10 =	vld [tilespmem:s31+$0x90];
	[tilespmem:s30+$0xC0] =	vst v7  }
0x59: {  	[tilespmem:s1+$0xFFFFFF80] =	vst v8;
	v4 =	vmul.f32 v4, v0;
	v7 =	vld [tilespmem:s13+$0xD0]  }
0x5a: {  	[tilespmem:s1+$0x0] =	vst v9;
	v8 =	vld [tilespmem:s31+$0xFFFFFF90];
	v5 =	vmul.f32 v5, v2  }
0x5b: {  	v6 =	vmul.f32 v6, v2;
	[tilespmem:s1+$0xFFFFFF00] =	vst v4;
	v4 =	vld [tilespmem:s31+$0x10]  }
0x5c: {  	v9 =	vld [tilespmem:s31+$0xFFFFFF10];
	[tilespmem:s30+$0xFFFFFF40] =	vst v5;
	v3 =	vmul.f32 v3, v2  }
0x5d: {  	[tilespmem:s30+$0xFFFFFFC0] =	vst v6;
	v5 =	vmul.f32 v10, v0;
	v10 =	vld [tilespmem:s13+$0xFFFFFF50]  }
0x5e: {  	v6 =	vld [tilespmem:s13+$0xFFFFFFD0];
	[tilespmem:s30+$0x40] =	vst v3;
	v3 =	vmul.f32 v7, v2  }
0x5f: {  	v7 =	vmul.f32 v8, v0;
	[tilespmem:s1+$0x90] =	vst v5;
	v5 =	vld [tilespmem:s13+$0x50]  }
0x60: {  	v4 =	vmul.f32 v4, v0;
	v8 =	vld [tilespmem:s31+$0xA0];
	[tilespmem:s30+$0xD0] =	vst v3  }
0x61: {  	v3 =	vmul.f32 v9, v0;
	[tilespmem:s1+$0xFFFFFF90] =	vst v7;
	v7 =	vld [tilespmem:s13+$0xE0]  }
0x62: {  	[tilespmem:s1+$0x10] =	vst v4;
	v9 =	vld [tilespmem:s31+$0xFFFFFFA0];
	v4 =	vmul.f32 v10, v2  }
0x63: {  	v6 =	vmul.f32 v6, v2;
	[tilespmem:s1+$0xFFFFFF10] =	vst v3;
	v3 =	vld [tilespmem:s31+$0x20]  }
0x64: {  	v10 =	vld [tilespmem:s31+$0xFFFFFF20];
	[tilespmem:s30+$0xFFFFFF50] =	vst v4;
	v4 =	vmul.f32 v5, v2  }
0x65: {  	[tilespmem:s30+$0xFFFFFFD0] =	vst v6;
	v5 =	vmul.f32 v8, v1;
	v8 =	vld [tilespmem:s13+$0xFFFFFF60]  }
0x66: {  	v6 =	vld [tilespmem:s13+$0xFFFFFFE0];
	[tilespmem:s30+$0x50] =	vst v4;
	v4 =	vmul.f32 v7, v2  }
0x67: {  	v7 =	vmul.f32 v9, v1;
	[tilespmem:s1+$0xA0] =	vst v5;
	v5 =	vld [tilespmem:s13+$0x60]  }
0x68: {  	v3 =	vmul.f32 v3, v1;
	v9 =	vld [tilespmem:s31+$0xB0];
	[tilespmem:s30+$0xE0] =	vst v4  }
0x69: {  	v4 =	vmul.f32 v10, v1;
	[tilespmem:s1+$0xFFFFFFA0] =	vst v7;
	v10 =	vld [tilespmem:s13+$0xF0]  }
0x6a: {  	v11 =	vld [tilespmem:s31+$0xFFFFFFB0];
	[tilespmem:s1+$0x20] =	vst v3;
	v3 =	vmul.f32 v8, v2  }
0x6b: {  	v6 =	vmul.f32 v6, v2;
	[tilespmem:s1+$0xFFFFFF20] =	vst v4;
	v7 =	vld [tilespmem:s31+$0x30]  }
0x6c: {  	v8 =	vld [tilespmem:s31+$0xFFFFFF30];
	[tilespmem:s30+$0xFFFFFF60] =	vst v3;
	v5 =	vmul.f32 v5, v2  }
0x6d: {  	[tilespmem:s30+$0xFFFFFFE0] =	vst v6;
	v12 =	vmul.f32 v9, v1;
	v4 =	vld [tilespmem:s13+$0xFFFFFF70]  }
0x6e: {  	v3 =	vld [tilespmem:s13+$0xFFFFFFF0];
	[tilespmem:s30+$0x60] =	vst v5;
	v6 =	vmul.f32 v10, v2  }
0x6f: {  	s29 =	smul.u32 $0x3, s28;
	s10 =	simm.s32 $0x1280;
	s0 =	simm.s32 $0x4;
	v9 =	vmul.f32 v11, v1;
	[tilespmem:s1+$0xB0] =	vst v12;
	v5 =	vld [tilespmem:s13+$0x70]  }
.LBB2_3:
0x70: {  	v10 =	vld [tilespmem:s10+$0x80];
	v7 =	vmul.f32 v7, v1;
	[tilespmem:s30+$0xF0] =	vst v6  }
0x71: {  	s0 =	sadd.s32 $0x4, s0;
	v6 =	vmul.f32 v8, v1;
	[tilespmem:s1+$0xFFFFFFB0] =	vst v9;
	v8 =	vld [tilespmem:s31+$0xC0]  }
0x72: {  	p1 =	slt.u32 s0, $0x7C;
	v9 =	vld [tilespmem:s10+$0xFFFFFF80];
	[tilespmem:s1+$0x30] =	vst v7;
	v4 =	vmul.f32 v4, v2  }
0x73: {  	v7 =	vld [tilespmem:s10+$0x0];
	[tilespmem:s1+$0xFFFFFF30] =	vst v6;
	v3 =	vmul.f32 v3, v2  }
0x74: {  	v6 =	vld [tilespmem:s10+$0xFFFFFF00];
	[tilespmem:s30+$0xFFFFFF70] =	vst v4;
	v4 =	vmul.f32 v5, v2  }
0x75: {  	v5 =	vmul.f32 v10, v0;
	v10 =	vld [tilespmem:s31+$0xFFFFFF40];
	[tilespmem:s30+$0xFFFFFFF0] =	vst v3  }
0x76: {  	v3 =	vld [tilespmem:s31+$0xFFFFFFC0];
	v8 =	vmul.f32 v8, v2;
	[tilespmem:s30+$0x70] =	vst v4;
	s30 =	smov.u32 s1;
	s1 =	sadd.s32 $0x200, s1  }
0x77: {  	v4 =	vmul.f32 v9, v0;
	[tilespmem:s1+$0x80] =	vst v5;
	v5 =	vld [tilespmem:s31+$0x40]  }
0x78: {  	v7 =	vmul.f32 v7, v0;
	v9 =	vld [tilespmem:s10+$0x90];
	[tilespmem:s30+$0xC0] =	vst v8  }
0x79: {  	v6 =	vmul.f32 v6, v0;
	[tilespmem:s1+$0xFFFFFF80] =	vst v4;
	v4 =	vld [tilespmem:s31+$0xD0]  }
0x7a: {  	v8 =	vld [tilespmem:s10+$0xFFFFFF90];
	[tilespmem:s1+$0x0] =	vst v7;
	v7 =	vmul.f32 v10, v2  }
0x7b: {  	[tilespmem:s1+$0xFFFFFF00] =	vst v6;
	v6 =	vld [tilespmem:s10+$0x10];
	v3 =	vmul.f32 v3, v2  }
0x7c: {  	v10 =	vld [tilespmem:s10+$0xFFFFFF10];
	[tilespmem:s30+$0xFFFFFF40] =	vst v7;
	v5 =	vmul.f32 v5, v2  }
0x7d: {  	v7 =	vmul.f32 v9, v0;
	v9 =	vld [tilespmem:s31+$0xFFFFFF50];
	[tilespmem:s30+$0xFFFFFFC0] =	vst v3  }
0x7e: {  	v3 =	vld [tilespmem:s31+$0xFFFFFFD0];
	[tilespmem:s30+$0x40] =	vst v5;
	v4 =	vmul.f32 v4, v2  }
0x7f: {  	v5 =	vmul.f32 v8, v0;
	[tilespmem:s1+$0x90] =	vst v7;
	v7 =	vld [tilespmem:s31+$0x50]  }
0x80: {  	v6 =	vmul.f32 v6, v0;
	v8 =	vld [tilespmem:s10+$0xA0];
	[tilespmem:s30+$0xD0] =	vst v4  }
0x81: {  	v4 =	vmul.f32 v10, v0;
	[tilespmem:s1+$0xFFFFFF90] =	vst v5;
	v5 =	vld [tilespmem:s31+$0xE0]  }
0x82: {  	v10 =	vld [tilespmem:s10+$0xFFFFFFA0];
	[tilespmem:s1+$0x10] =	vst v6;
	v6 =	vmul.f32 v9, v2  }
0x83: {  	[tilespmem:s1+$0xFFFFFF10] =	vst v4;
	v4 =	vld [tilespmem:s10+$0x20];
	v3 =	vmul.f32 v3, v2  }
0x84: {  	v9 =	vld [tilespmem:s10+$0xFFFFFF20];
	[tilespmem:s30+$0xFFFFFF50] =	vst v6;
	v6 =	vmul.f32 v7, v2  }
0x85: {  	v7 =	vmul.f32 v8, v1;
	v8 =	vld [tilespmem:s31+$0xFFFFFF60];
	[tilespmem:s30+$0xFFFFFFD0] =	vst v3  }
0x86: {  	v3 =	vld [tilespmem:s31+$0xFFFFFFE0];
	[tilespmem:s30+$0x50] =	vst v6;
	v5 =	vmul.f32 v5, v2  }
0x87: {  	v6 =	vmul.f32 v10, v1;
	[tilespmem:s1+$0xA0] =	vst v7;
	v10 =	vld [tilespmem:s31+$0x60]  }
0x88: {  	v4 =	vmul.f32 v4, v1;
	v11 =	vld [tilespmem:s10+$0xB0];
	[tilespmem:s30+$0xE0] =	vst v5  }
0x89: {  	v5 =	vmul.f32 v9, v1;
	[tilespmem:s1+$0xFFFFFFA0] =	vst v6;
	v6 =	vld [tilespmem:s31+$0xF0]  }
0x8a: {  	v9 =	vld [tilespmem:s10+$0xFFFFFFB0];
	[tilespmem:s1+$0x20] =	vst v4;
	v4 =	vmul.f32 v8, v2  }
.Ltmp2:
0x8b: {  	[tilespmem:s1+$0xFFFFFF20] =	vst v5;
	v7 =	vld [tilespmem:s10+$0x30];
	v3 =	vmul.f32 v3, v2;
	(pc) =	sbr.rel @p1 .LBB2_3-.Ltmp2, $4  }
0x8c: {  	v8 =	vld [tilespmem:s10+$0xFFFFFF30];
	[tilespmem:s30+$0xFFFFFF60] =	vst v4;
	v5 =	vmul.f32 v10, v2  }
0x8d: {  	v10 =	vmul.f32 v11, v1;
	v4 =	vld [tilespmem:s31+$0xFFFFFF70];
	[tilespmem:s30+$0xFFFFFFE0] =	vst v3  }
0x8e: {  	v3 =	vld [tilespmem:s31+$0xFFFFFFF0];
	[tilespmem:s30+$0x60] =	vst v5;
	v6 =	vmul.f32 v6, v2  }
0x8f: {  	v9 =	vmul.f32 v9, v1;
	[tilespmem:s1+$0xB0] =	vst v10;
	v5 =	vld [tilespmem:s31+$0x70];
	s31 =	smov.u32 s10;
	s10 =	sadd.s32 $0x200, s10  }
0x90: {  	_ = 	snop  }
0x91: {  	v8 =	vmul.f32 v8, v1;
	_ =	sdelay $0x1  }
0x92: {  	v7 =	vmul.f32 v7, v1;
	v10 =	vld [tilespmem:s31+$0xC0];
	[tilespmem:s1+$0xFFFFFF30] =	vst v8  }
0x93: {  	[tilespmem:s1+$0xFFFFFFB0] =	vst v9;
	v8 =	vld [tilespmem:s31+$0xFFFFFF40]  }
0x94: {  	[tilespmem:s1+$0x30] =	vst v7;
	v7 =	vld [tilespmem:s31+$0xFFFFFFC0]  }
0x95: {  	v9 =	vld [tilespmem:s31+$0x40];
	_ =	sdelay $0x1  }
0x96: {  	v10 =	vmul.f32 v10, v2  }
0x97: {  	v8 =	vmul.f32 v8, v2  }
0x98: {  	[tilespmem:s1+$0xC0] =	vst v10;
	v7 =	vmul.f32 v7, v2  }
0x99: {  	v10 =	vld [tilespmem:s31+$0xD0];
	[tilespmem:s1+$0xFFFFFF40] =	vst v8;
	v8 =	vmul.f32 v9, v2  }
0x9a: {  	[tilespmem:s1+$0xFFFFFFC0] =	vst v7;
	v9 =	vld [tilespmem:s31+$0xFFFFFF50]  }
0x9b: {  	v7 =	vld [tilespmem:s31+$0xFFFFFFD0];
	[tilespmem:s1+$0x40] =	vst v8  }
0x9c: {  	v8 =	vld [tilespmem:s31+$0x50];
	_ =	sdelay $0x1  }
0x9d: {  	v10 =	vmul.f32 v10, v2  }
0x9e: {  	v9 =	vmul.f32 v9, v2  }
0x9f: {  	[tilespmem:s1+$0xD0] =	vst v10;
	v7 =	vmul.f32 v7, v2  }
0xa0: {  	v10 =	vld [tilespmem:s31+$0xE0];
	[tilespmem:s1+$0xFFFFFF50] =	vst v9;
	v8 =	vmul.f32 v8, v2  }
0xa1: {  	[tilespmem:s1+$0xFFFFFFD0] =	vst v7;
	v9 =	vld [tilespmem:s31+$0xFFFFFF60]  }
0xa2: {  	v7 =	vld [tilespmem:s31+$0xFFFFFFE0];
	[tilespmem:s1+$0x50] =	vst v8  }
0xa3: {  	v8 =	vld [tilespmem:s31+$0x60];
	_ =	sdelay $0x1  }
0xa4: {  	v10 =	vmul.f32 v10, v2  }
0xa5: {  	v9 =	vmul.f32 v9, v2  }
0xa6: {  	[tilespmem:s1+$0xE0] =	vst v10;
	v7 =	vmul.f32 v7, v2  }
0xa7: {  	v10 =	vld [tilespmem:s31+$0xF0];
	[tilespmem:s1+$0xFFFFFF60] =	vst v9;
	v8 =	vmul.f32 v8, v2  }
0xa8: {  	[tilespmem:s1+$0xFFFFFFE0] =	vst v7;
	v9 =	vld [tilespmem:s31+$0xFFFFFF70]  }
0xa9: {  	v4 =	vmul.f32 v4, v2;
	v7 =	vld [tilespmem:s31+$0xFFFFFFF0];
	[tilespmem:s1+$0x60] =	vst v8  }
0xaa: {  	[tilespmem:s30+$0xF0] =	vst v6;
	v3 =	vmul.f32 v3, v2;
	v6 =	vld [tilespmem:s31+$0x70]  }
0xab: {  	[tilespmem:s30+$0xFFFFFF70] =	vst v4;
	v4 =	vmul.f32 v5, v2  }
0xac: {  	[tilespmem:s30+$0xFFFFFFF0] =	vst v3;
	v3 =	vmul.f32 v10, v2  }
0xad: {  	p1 =	seq.s32 s28, $0x8;
	[tilespmem:s30+$0x70] =	vst v4;
	v4 =	vmul.f32 v9, v2  }
0xae: {  	s0 =	smul.u32 @!p1 $0x600, s28;
	[tilespmem:s1+$0xF0] =	vst v3;
	v3 =	vmul.f32 v7, v2  }
0xaf: {  	[tilespmem:s1+$0xFFFFFF70] =	vst v4;
	v4 =	vmul.f32 v6, v2  }
0xb0: {  	s10 =	simm.s32 @!p1 $0xD80;
	s0 =	sshra.s32 @!p1 s0, $0x2;
	[tilespmem:s1+$0xFFFFFFF0] =	vst v3  }
0xb1: {  	s0 =	sadd.s32 @!p1 $0x180, s0;
	s31 =	sadd.s32 s5, s29;
	[tilespmem:s1+$0x70] =	vst v4;
	s1 =	simm.s32 @!p1 $0x80  }
0xb2: {  	[tilespmem:s10], [sflag:$0x1] =	stream.indirect.gather @!p1 [hbm4b:s2+s1], $0x80, s0, s1, $0xb8;
	[tilespmem:$0x18D80] =	vst v63  }
0xb3: {  	s0 =	sshll.u32 s31, $0xB  }
0xb4: {  	s0 =	sadd.s32 s3, s0  }
0xb5: {  	[hbm4b:s0+s4] =	stream.linear.scatter [tilespmem:s18], [sflag:$0x4], $0x4000, $0x38;
	[tilespmem:$0x18D80] =	vst v63  }
0xb6: {  	_ =	swait.ge [sflag:s19], $0x4000  }
0xb7: {  	[sflag:s19] =	ssyncset.done $0x0  }
0xb8: {  	s0 =	simm.s32 @!p0 $0x5;
	[sflag:s19] =	ssyncadd.s32 $0xFFFFC000  }
0xb9: {  	_ =	swait.ge @!p0 [sflag:s0], $0x4000  }
0xba: {  	[sflag:s0] =	ssyncset.done @!p0 $0x0  }
0xbb: {  	s1 =	simm.s32 $0x0;
	[sflag:s0] =	ssyncadd.s32 @!p0 $0xFFFFC000  }
0xbc: {  	v4 =	vld [tilespmem:s1+$0x4D80]  }
0xbd: {  	v3 =	vld [tilespmem:s1+$0x4F70]  }
0xbe: {  	v5 =	vld [tilespmem:s1+$0x4D90]  }
0xbf: {  	v6 =	vld [tilespmem:s1+$0x4DA0]  }
0xc0: {  	v10 =	vld [tilespmem:s1+$0x4DE0]  }
0xc1: {  	v8 =	vld [tilespmem:s1+$0x4DC0];
	v4 =	vmul.f32 v4, v0  }
0xc2: {  	v7 =	vld [tilespmem:s1+$0x4DB0];
	v3 =	vmul.f32 v3, v2  }
0xc3: {  	v11 =	vld [tilespmem:s1+$0x4E00];
	v5 =	vmul.f32 v5, v0;
	[tilespmem:s1+$0x10D80] =	vst v4  }
0xc4: {  	v9 =	vld [tilespmem:s1+$0x4DD0];
	[tilespmem:s1+$0x10F70] =	vst v3;
	v3 =	vmul.f32 v6, v1  }
0xc5: {  	v10 =	vmul.f32 v10, v2;
	v4 =	vld [tilespmem:s1+$0x4DF0];
	[tilespmem:s1+$0x10D90] =	vst v5  }
0xc6: {  	v6 =	vld [tilespmem:s1+$0x4E10];
	[tilespmem:s1+$0x10DA0] =	vst v3;
	v3 =	vmul.f32 v8, v2  }
0xc7: {  	v5 =	vmul.f32 v7, v1;
	v7 =	vld [tilespmem:s1+$0x4E20];
	[tilespmem:s1+$0x10DE0] =	vst v10  }
0xc8: {  	v8 =	vld [tilespmem:s1+$0x4E30];
	[tilespmem:s1+$0x10DC0] =	vst v3;
	v3 =	vmul.f32 v11, v0  }
0xc9: {  	[tilespmem:s1+$0x10DB0] =	vst v5;
	v5 =	vmul.f32 v9, v2;
	v9 =	vld [tilespmem:s1+$0x4E40]  }
0xca: {  	v11 =	vld [tilespmem:s1+$0x4E50];
	[tilespmem:s1+$0x10E00] =	vst v3;
	v3 =	vmul.f32 v4, v2  }
0xcb: {  	[tilespmem:s1+$0x10DD0] =	vst v5;
	v4 =	vmul.f32 v6, v0;
	v6 =	vld [tilespmem:s1+$0x4E70]  }
0xcc: {  	v5 =	vld [tilespmem:s1+$0x4E60];
	[tilespmem:s1+$0x10DF0] =	vst v3;
	v3 =	vmul.f32 v7, v1  }
0xcd: {  	v7 =	vld [tilespmem:s1+$0x4E80];
	[tilespmem:s1+$0x10E10] =	vst v4;
	v4 =	vmul.f32 v8, v1  }
0xce: {  	v8 =	vld [tilespmem:s1+$0x4E90];
	[tilespmem:s1+$0x10E20] =	vst v3;
	v3 =	vmul.f32 v9, v2  }
0xcf: {  	v9 =	vld [tilespmem:s1+$0x4EA0];
	[tilespmem:s1+$0x10E30] =	vst v4;
	v4 =	vmul.f32 v11, v2  }
0xd0: {  	v10 =	vld [tilespmem:s1+$0x4EB0];
	v6 =	vmul.f32 v6, v2;
	[tilespmem:s1+$0x10E40] =	vst v3  }
0xd1: {  	v3 =	vmul.f32 v5, v2;
	v5 =	vld [tilespmem:s1+$0x4EC0];
	[tilespmem:s1+$0x10E50] =	vst v4  }
0xd2: {  	v4 =	vmul.f32 v7, v0;
	v7 =	vld [tilespmem:s1+$0x4ED0];
	[tilespmem:s1+$0x10E70] =	vst v6  }
0xd3: {  	v11 =	vld [tilespmem:s1+$0x4EE0];
	[tilespmem:s1+$0x10E60] =	vst v3;
	v3 =	vmul.f32 v8, v0  }
0xd4: {  	v8 =	vld [tilespmem:s1+$0x4EF0];
	[tilespmem:s1+$0x10E80] =	vst v4;
	v4 =	vmul.f32 v9, v1  }
0xd5: {  	[tilespmem:s1+$0x10E90] =	vst v3;
	v3 =	vmul.f32 v10, v1;
	v10 =	vld [tilespmem:s1+$0x4F00]  }
0xd6: {  	v6 =	vld [tilespmem:s1+$0x4F10];
	[tilespmem:s1+$0x10EA0] =	vst v4;
	v4 =	vmul.f32 v5, v2  }
0xd7: {  	[tilespmem:s1+$0x10EB0] =	vst v3;
	v5 =	vmul.f32 v7, v2;
	v3 =	vld [tilespmem:s1+$0x4F20]  }
0xd8: {  	v7 =	vmul.f32 v11, v2;
	[tilespmem:s1+$0x10EC0] =	vst v4;
	v4 =	vld [tilespmem:s1+$0x4F30]  }
0xd9: {  	v9 =	vmul.f32 v8, v2;
	[tilespmem:s1+$0x10ED0] =	vst v5;
	v5 =	vld [tilespmem:s1+$0x4F40]  }
0xda: {  	s30 =	sadd.s32 $0x1, s29;
	s10 =	simm.s32 $0x800;
	s0 =	simm.s32 $0x0;
	[tilespmem:s1+$0x10EE0] =	vst v7;
	v7 =	vld [tilespmem:s1+$0x4F50];
	v8 =	vmul.f32 v10, v0  }
.LBB2_5:
0xdb: {  	s13 =	sshra.s32 s10, $0x2;
	s0 =	sadd.s32 $0x4, s0;
	[tilespmem:s1+$0x10EF0] =	vst v9;
	v6 =	vmul.f32 v6, v0;
	v9 =	vld [tilespmem:s1+$0x4F60]  }
0xdc: {  	v10 =	vld [tilespmem:s13+$0x4F70];
	p2 =	slt.u32 s0, $0x7C;
	[tilespmem:s1+$0x10F00] =	vst v8;
	v3 =	vmul.f32 v3, v1  }
0xdd: {  	v8 =	vld [tilespmem:s13+$0x4D80];
	[tilespmem:s1+$0x10F10] =	vst v6;
	v4 =	vmul.f32 v4, v1  }
0xde: {  	v6 =	vld [tilespmem:s13+$0x4D90];
	[tilespmem:s1+$0x10F20] =	vst v3;
	v3 =	vmul.f32 v5, v2  }
0xdf: {  	v5 =	vld [tilespmem:s13+$0x4DA0];
	[tilespmem:s1+$0x10F30] =	vst v4;
	v4 =	vmul.f32 v7, v2  }
0xe0: {  	v7 =	vld [tilespmem:s13+$0x4DB0];
	[tilespmem:s1+$0x10F40] =	vst v3;
	v3 =	vmul.f32 v9, v2  }
0xe1: {  	v9 =	vld [tilespmem:s13+$0x4DC0];
	v10 =	vmul.f32 v10, v2;
	[tilespmem:s1+$0x10F50] =	vst v4  }
0xe2: {  	v4 =	vmul.f32 v8, v0;
	v8 =	vld [tilespmem:s13+$0x4DD0];
	[tilespmem:s1+$0x10F60] =	vst v3;
	s1 =	smov.u32 s13  }
0xe3: {  	v3 =	vmul.f32 v6, v0;
	v6 =	vld [tilespmem:s1+$0x4DE0];
	[tilespmem:s1+$0x10F70] =	vst v10  }
0xe4: {  	[tilespmem:s1+$0x10D80] =	vst v4;
	v4 =	vmul.f32 v5, v1;
	v5 =	vld [tilespmem:s1+$0x4DF0]  }
0xe5: {  	[tilespmem:s1+$0x10D90] =	vst v3;
	v3 =	vmul.f32 v7, v1;
	v7 =	vld [tilespmem:s1+$0x4E00]  }
0xe6: {  	[tilespmem:s1+$0x10DA0] =	vst v4;
	v4 =	vmul.f32 v9, v2;
	v9 =	vld [tilespmem:s1+$0x4E10]  }
0xe7: {  	[tilespmem:s1+$0x10DB0] =	vst v3;
	v3 =	vmul.f32 v8, v2;
	v8 =	vld [tilespmem:s1+$0x4E20]  }
0xe8: {  	[tilespmem:s1+$0x10DC0] =	vst v4;
	v4 =	vmul.f32 v6, v2;
	v6 =	vld [tilespmem:s1+$0x4E30]  }
0xe9: {  	[tilespmem:s1+$0x10DD0] =	vst v3;
	v3 =	vmul.f32 v5, v2;
	v5 =	vld [tilespmem:s1+$0x4E40]  }
0xea: {  	[tilespmem:s1+$0x10DE0] =	vst v4;
	v4 =	vmul.f32 v7, v0;
	v7 =	vld [tilespmem:s1+$0x4E50]  }
0xeb: {  	[tilespmem:s1+$0x10DF0] =	vst v3;
	v3 =	vmul.f32 v9, v0;
	v9 =	vld [tilespmem:s1+$0x4E60]  }
0xec: {  	[tilespmem:s1+$0x10E00] =	vst v4;
	v4 =	vmul.f32 v8, v1;
	v8 =	vld [tilespmem:s1+$0x4E70]  }
0xed: {  	[tilespmem:s1+$0x10E10] =	vst v3;
	v3 =	vmul.f32 v6, v1;
	v6 =	vld [tilespmem:s1+$0x4E80]  }
0xee: {  	[tilespmem:s1+$0x10E20] =	vst v4;
	v4 =	vmul.f32 v5, v2;
	v5 =	vld [tilespmem:s1+$0x4E90]  }
0xef: {  	[tilespmem:s1+$0x10E30] =	vst v3;
	v3 =	vmul.f32 v7, v2;
	v7 =	vld [tilespmem:s1+$0x4EA0]  }
0xf0: {  	[tilespmem:s1+$0x10E40] =	vst v4;
	v4 =	vmul.f32 v9, v2;
	v9 =	vld [tilespmem:s1+$0x4EB0]  }
0xf1: {  	[tilespmem:s1+$0x10E50] =	vst v3;
	v3 =	vmul.f32 v8, v2;
	v8 =	vld [tilespmem:s1+$0x4EC0]  }
0xf2: {  	[tilespmem:s1+$0x10E60] =	vst v4;
	v4 =	vmul.f32 v6, v0;
	v10 =	vld [tilespmem:s1+$0x4ED0]  }
0xf3: {  	[tilespmem:s1+$0x10E70] =	vst v3;
	v3 =	vmul.f32 v5, v0;
	v5 =	vld [tilespmem:s1+$0x4EE0]  }
0xf4: {  	[tilespmem:s1+$0x10E80] =	vst v4;
	v4 =	vmul.f32 v7, v1;
	v7 =	vld [tilespmem:s1+$0x4EF0]  }
0xf5: {  	[tilespmem:s1+$0x10E90] =	vst v3;
	v3 =	vmul.f32 v9, v1;
	v11 =	vld [tilespmem:s1+$0x4F00]  }
.Ltmp3:
0xf6: {  	[tilespmem:s1+$0x10EA0] =	vst v4;
	v4 =	vmul.f32 v8, v2;
	v6 =	vld [tilespmem:s1+$0x4F10];
	(pc) =	sbr.rel @p2 .LBB2_5-.Ltmp3, $4  }
0xf7: {  	[tilespmem:s1+$0x10EB0] =	vst v3;
	v8 =	vmul.f32 v10, v2;
	v3 =	vld [tilespmem:s1+$0x4F20]  }
0xf8: {  	[tilespmem:s1+$0x10EC0] =	vst v4;
	v10 =	vmul.f32 v5, v2;
	v4 =	vld [tilespmem:s1+$0x4F30]  }
0xf9: {  	[tilespmem:s1+$0x10ED0] =	vst v8;
	v9 =	vmul.f32 v7, v2;
	v5 =	vld [tilespmem:s1+$0x4F40]  }
0xfa: {  	s10 =	sadd.s32 $0x800, s10;
	[tilespmem:s1+$0x10EE0] =	vst v10;
	v8 =	vmul.f32 v11, v0;
	v7 =	vld [tilespmem:s1+$0x4F50]  }
0xfb: {  	[tilespmem:s1+$0x10EF0] =	vst v9;
	v6 =	vmul.f32 v6, v0;
	v62 =	vld [tilespmem:s1+$0x4F60]  }
0xfc: {  	[tilespmem:s1+$0x10F00] =	vst v8;
	v3 =	vmul.f32 v3, v1  }
0xfd: {  	[tilespmem:s1+$0x10F10] =	vst v6;
	v4 =	vmul.f32 v4, v1  }
.Ltmp4:
0xfe: {  	[tilespmem:s1+$0x10F20] =	vst v3;
	v3 =	vmul.f32 v5, v2;
	(pc) =	sbr.rel @p1 .LBB2_12-.Ltmp4, $4  }
0xff: {  	[tilespmem:s1+$0x10F30] =	vst v4;
	v63 =	vmul.f32 v7, v2  }
0x100: {  	[tilespmem:s1+$0x10F40] =	vst v3;
	v3 =	vmul.f32 v62, v2  }
0x101: {  	[tilespmem:s1+$0x10F50] =	vst v63  }
0x102: {  	[tilespmem:s1+$0x10F60] =	vst v3  }
0x103: {  	s0 =	smul.u32 $0x600, s28;
	_ =	sdelay $0x1  }
0x104: {  	s1 =	sshra.s32 s0, $0x2  }
0x105: {  	s31 =	sadd.s32 s5, s30;
	s0 =	sadd.s32 $0x200, s1  }
0x106: {  	[tilespmem:s14], [sflag:$0x2] =	stream.indirect.gather [hbm4b:s2+s12], $0x80, s0, s12, $0xb8;
	[tilespmem:$0x18D80] =	vst v63  }
0x107: {  	s0 =	sshll.u32 s31, $0xB  }
0x108: {  	s0 =	sand.u32 $0xFFFF800, s0  }
0x109: {  	s0 =	sadd.s32 s3, s0  }
0x10a: {  	[hbm4b:s0+s4] =	stream.linear.scatter [tilespmem:s20], [sflag:$0x5], $0x4000, $0x38;
	[tilespmem:$0x18D80] =	vst v63  }
0x10b: {  	_ =	swait.ge [sflag:s24], $0x4000  }
0x10c: {  	[sflag:s24] =	ssyncset.done $0x0  }
0x10d: {  	s0 =	simm.s32 @!p0 $0x6;
	[sflag:s24] =	ssyncadd.s32 $0xFFFFC000  }
0x10e: {  	_ =	swait.ge @!p0 [sflag:s0], $0x4000  }
0x10f: {  	[sflag:s0] =	ssyncset.done @!p0 $0x0  }
0x110: {  	s30 =	simm.s32 $0x0;
	[sflag:s0] =	ssyncadd.s32 @!p0 $0xFFFFC000  }
0x111: {  	v4 =	vld [tilespmem:s30+$0x8D80]  }
0x112: {  	v3 =	vld [tilespmem:s30+$0x8F70]  }
0x113: {  	v5 =	vld [tilespmem:s30+$0x8D90]  }
0x114: {  	v6 =	vld [tilespmem:s30+$0x8DA0]  }
0x115: {  	v10 =	vld [tilespmem:s30+$0x8DE0]  }
0x116: {  	v8 =	vld [tilespmem:s30+$0x8DC0];
	v4 =	vmul.f32 v4, v0  }
0x117: {  	v7 =	vld [tilespmem:s30+$0x8DB0];
	v3 =	vmul.f32 v3, v2  }
0x118: {  	v11 =	vld [tilespmem:s30+$0x8E00];
	v5 =	vmul.f32 v5, v0;
	[tilespmem:s30+$0x14D80] =	vst v4  }
0x119: {  	v9 =	vld [tilespmem:s30+$0x8DD0];
	[tilespmem:s30+$0x14F70] =	vst v3;
	v3 =	vmul.f32 v6, v1  }
0x11a: {  	v10 =	vmul.f32 v10, v2;
	v4 =	vld [tilespmem:s30+$0x8DF0];
	[tilespmem:s30+$0x14D90] =	vst v5  }
0x11b: {  	v6 =	vld [tilespmem:s30+$0x8E10];
	[tilespmem:s30+$0x14DA0] =	vst v3;
	v3 =	vmul.f32 v8, v2  }
0x11c: {  	v5 =	vmul.f32 v7, v1;
	v7 =	vld [tilespmem:s30+$0x8E20];
	[tilespmem:s30+$0x14DE0] =	vst v10  }
0x11d: {  	v8 =	vld [tilespmem:s30+$0x8E30];
	[tilespmem:s30+$0x14DC0] =	vst v3;
	v3 =	vmul.f32 v11, v0  }
0x11e: {  	[tilespmem:s30+$0x14DB0] =	vst v5;
	v5 =	vmul.f32 v9, v2;
	v9 =	vld [tilespmem:s30+$0x8E40]  }
0x11f: {  	v11 =	vld [tilespmem:s30+$0x8E50];
	[tilespmem:s30+$0x14E00] =	vst v3;
	v3 =	vmul.f32 v4, v2  }
0x120: {  	[tilespmem:s30+$0x14DD0] =	vst v5;
	v4 =	vmul.f32 v6, v0;
	v6 =	vld [tilespmem:s30+$0x8E70]  }
0x121: {  	v5 =	vld [tilespmem:s30+$0x8E60];
	[tilespmem:s30+$0x14DF0] =	vst v3;
	v3 =	vmul.f32 v7, v1  }
0x122: {  	v7 =	vld [tilespmem:s30+$0x8E80];
	[tilespmem:s30+$0x14E10] =	vst v4;
	v4 =	vmul.f32 v8, v1  }
0x123: {  	v8 =	vld [tilespmem:s30+$0x8E90];
	[tilespmem:s30+$0x14E20] =	vst v3;
	v3 =	vmul.f32 v9, v2  }
0x124: {  	v9 =	vld [tilespmem:s30+$0x8EA0];
	[tilespmem:s30+$0x14E30] =	vst v4;
	v4 =	vmul.f32 v11, v2  }
0x125: {  	v10 =	vld [tilespmem:s30+$0x8EB0];
	v6 =	vmul.f32 v6, v2;
	[tilespmem:s30+$0x14E40] =	vst v3  }
0x126: {  	v3 =	vmul.f32 v5, v2;
	v5 =	vld [tilespmem:s30+$0x8EC0];
	[tilespmem:s30+$0x14E50] =	vst v4  }
0x127: {  	v4 =	vmul.f32 v7, v0;
	v7 =	vld [tilespmem:s30+$0x8ED0];
	[tilespmem:s30+$0x14E70] =	vst v6  }
0x128: {  	v11 =	vld [tilespmem:s30+$0x8EE0];
	[tilespmem:s30+$0x14E60] =	vst v3;
	v3 =	vmul.f32 v8, v0  }
0x129: {  	v8 =	vld [tilespmem:s30+$0x8EF0];
	[tilespmem:s30+$0x14E80] =	vst v4;
	v4 =	vmul.f32 v9, v1  }
0x12a: {  	[tilespmem:s30+$0x14E90] =	vst v3;
	v3 =	vmul.f32 v10, v1;
	v10 =	vld [tilespmem:s30+$0x8F00]  }
0x12b: {  	v6 =	vld [tilespmem:s30+$0x8F10];
	[tilespmem:s30+$0x14EA0] =	vst v4;
	v4 =	vmul.f32 v5, v2  }
0x12c: {  	[tilespmem:s30+$0x14EB0] =	vst v3;
	v5 =	vmul.f32 v7, v2;
	v3 =	vld [tilespmem:s30+$0x8F20]  }
0x12d: {  	v7 =	vmul.f32 v11, v2;
	[tilespmem:s30+$0x14EC0] =	vst v4;
	v4 =	vld [tilespmem:s30+$0x8F30]  }
0x12e: {  	v9 =	vmul.f32 v8, v2;
	[tilespmem:s30+$0x14ED0] =	vst v5;
	v5 =	vld [tilespmem:s30+$0x8F40]  }
0x12f: {  	s10 =	simm.s32 $0x800;
	s0 =	simm.s32 $0x0;
	[tilespmem:s30+$0x14EE0] =	vst v7;
	v7 =	vld [tilespmem:s30+$0x8F50];
	v8 =	vmul.f32 v10, v0  }
.LBB2_8:
0x130: {  	s13 =	sshra.s32 s10, $0x2;
	s0 =	sadd.s32 $0x4, s0;
	[tilespmem:s30+$0x14EF0] =	vst v9;
	v6 =	vmul.f32 v6, v0;
	v9 =	vld [tilespmem:s30+$0x8F60]  }
0x131: {  	v10 =	vld [tilespmem:s13+$0x8F70];
	p0 =	slt.u32 s0, $0x7C;
	[tilespmem:s30+$0x14F00] =	vst v8;
	v3 =	vmul.f32 v3, v1  }
0x132: {  	v8 =	vld [tilespmem:s13+$0x8D80];
	[tilespmem:s30+$0x14F10] =	vst v6;
	v4 =	vmul.f32 v4, v1  }
0x133: {  	v6 =	vld [tilespmem:s13+$0x8D90];
	[tilespmem:s30+$0x14F20] =	vst v3;
	v3 =	vmul.f32 v5, v2  }
0x134: {  	v5 =	vld [tilespmem:s13+$0x8DA0];
	[tilespmem:s30+$0x14F30] =	vst v4;
	v4 =	vmul.f32 v7, v2  }
0x135: {  	v7 =	vld [tilespmem:s13+$0x8DB0];
	[tilespmem:s30+$0x14F40] =	vst v3;
	v3 =	vmul.f32 v9, v2  }
0x136: {  	v9 =	vld [tilespmem:s13+$0x8DC0];
	v10 =	vmul.f32 v10, v2;
	[tilespmem:s30+$0x14F50] =	vst v4  }
0x137: {  	v4 =	vmul.f32 v8, v0;
	v8 =	vld [tilespmem:s13+$0x8DD0];
	[tilespmem:s30+$0x14F60] =	vst v3;
	s30 =	smov.u32 s13  }
0x138: {  	v3 =	vmul.f32 v6, v0;
	v6 =	vld [tilespmem:s30+$0x8DE0];
	[tilespmem:s30+$0x14F70] =	vst v10  }
0x139: {  	[tilespmem:s30+$0x14D80] =	vst v4;
	v4 =	vmul.f32 v5, v1;
	v5 =	vld [tilespmem:s30+$0x8DF0]  }
0x13a: {  	[tilespmem:s30+$0x14D90] =	vst v3;
	v3 =	vmul.f32 v7, v1;
	v7 =	vld [tilespmem:s30+$0x8E00]  }
0x13b: {  	[tilespmem:s30+$0x14DA0] =	vst v4;
	v4 =	vmul.f32 v9, v2;
	v9 =	vld [tilespmem:s30+$0x8E10]  }
0x13c: {  	[tilespmem:s30+$0x14DB0] =	vst v3;
	v3 =	vmul.f32 v8, v2;
	v8 =	vld [tilespmem:s30+$0x8E20]  }
0x13d: {  	[tilespmem:s30+$0x14DC0] =	vst v4;
	v4 =	vmul.f32 v6, v2;
	v6 =	vld [tilespmem:s30+$0x8E30]  }
0x13e: {  	[tilespmem:s30+$0x14DD0] =	vst v3;
	v3 =	vmul.f32 v5, v2;
	v5 =	vld [tilespmem:s30+$0x8E40]  }
0x13f: {  	[tilespmem:s30+$0x14DE0] =	vst v4;
	v4 =	vmul.f32 v7, v0;
	v7 =	vld [tilespmem:s30+$0x8E50]  }
0x140: {  	[tilespmem:s30+$0x14DF0] =	vst v3;
	v3 =	vmul.f32 v9, v0;
	v9 =	vld [tilespmem:s30+$0x8E60]  }
0x141: {  	[tilespmem:s30+$0x14E00] =	vst v4;
	v4 =	vmul.f32 v8, v1;
	v8 =	vld [tilespmem:s30+$0x8E70]  }
0x142: {  	[tilespmem:s30+$0x14E10] =	vst v3;
	v3 =	vmul.f32 v6, v1;
	v6 =	vld [tilespmem:s30+$0x8E80]  }
0x143: {  	[tilespmem:s30+$0x14E20] =	vst v4;
	v4 =	vmul.f32 v5, v2;
	v5 =	vld [tilespmem:s30+$0x8E90]  }
0x144: {  	[tilespmem:s30+$0x14E30] =	vst v3;
	v3 =	vmul.f32 v7, v2;
	v7 =	vld [tilespmem:s30+$0x8EA0]  }
0x145: {  	[tilespmem:s30+$0x14E40] =	vst v4;
	v4 =	vmul.f32 v9, v2;
	v9 =	vld [tilespmem:s30+$0x8EB0]  }
0x146: {  	[tilespmem:s30+$0x14E50] =	vst v3;
	v3 =	vmul.f32 v8, v2;
	v8 =	vld [tilespmem:s30+$0x8EC0]  }
0x147: {  	[tilespmem:s30+$0x14E60] =	vst v4;
	v4 =	vmul.f32 v6, v0;
	v10 =	vld [tilespmem:s30+$0x8ED0]  }
0x148: {  	[tilespmem:s30+$0x14E70] =	vst v3;
	v3 =	vmul.f32 v5, v0;
	v5 =	vld [tilespmem:s30+$0x8EE0]  }
0x149: {  	[tilespmem:s30+$0x14E80] =	vst v4;
	v4 =	vmul.f32 v7, v1;
	v7 =	vld [tilespmem:s30+$0x8EF0]  }
0x14a: {  	[tilespmem:s30+$0x14E90] =	vst v3;
	v3 =	vmul.f32 v9, v1;
	v11 =	vld [tilespmem:s30+$0x8F00]  }
.Ltmp5:
0x14b: {  	[tilespmem:s30+$0x14EA0] =	vst v4;
	v4 =	vmul.f32 v8, v2;
	v6 =	vld [tilespmem:s30+$0x8F10];
	(pc) =	sbr.rel @p0 .LBB2_8-.Ltmp5, $4  }
0x14c: {  	[tilespmem:s30+$0x14EB0] =	vst v3;
	v8 =	vmul.f32 v10, v2;
	v3 =	vld [tilespmem:s30+$0x8F20]  }
0x14d: {  	[tilespmem:s30+$0x14EC0] =	vst v4;
	v10 =	vmul.f32 v5, v2;
	v4 =	vld [tilespmem:s30+$0x8F30]  }
0x14e: {  	[tilespmem:s30+$0x14ED0] =	vst v8;
	v9 =	vmul.f32 v7, v2;
	v5 =	vld [tilespmem:s30+$0x8F40]  }
0x14f: {  	s10 =	sadd.s32 $0x800, s10;
	[tilespmem:s30+$0x14EE0] =	vst v10;
	v8 =	vmul.f32 v11, v0;
	v7 =	vld [tilespmem:s30+$0x8F50]  }
0x150: {  	[tilespmem:s30+$0x14EF0] =	vst v9;
	v6 =	vmul.f32 v6, v0;
	v62 =	vld [tilespmem:s30+$0x8F60]  }
0x151: {  	[tilespmem:s30+$0x14F00] =	vst v8;
	v3 =	vmul.f32 v3, v1  }
0x152: {  	[tilespmem:s30+$0x14F10] =	vst v6;
	v4 =	vmul.f32 v4, v1  }
0x153: {  	[tilespmem:s30+$0x14F20] =	vst v3;
	v3 =	vmul.f32 v5, v2  }
0x154: {  	[tilespmem:s30+$0x14F30] =	vst v4;
	v63 =	vmul.f32 v7, v2  }
0x155: {  	[tilespmem:s30+$0x14F40] =	vst v3;
	v3 =	vmul.f32 v62, v2  }
0x156: {  	p0 =	sgt.u32 s28, $0x6;
	s28 =	sadd.s32 $0x1, s28;
	[tilespmem:s30+$0x14F50] =	vst v63  }
0x157: {  	s0 =	sadd.s32 @!p0 $0x280, s1;
	s1 =	simm.s32 @!p0 $0x80;
	s10 =	simm.s32 @!p0 $0x8D80;
	[tilespmem:s30+$0x14F60] =	vst v3  }
0x158: {  	[tilespmem:s10], [sflag:$0x3] =	stream.indirect.gather @!p0 [hbm4b:s2+s1], $0x80, s0, s1, $0xb8;
	[tilespmem:$0x18D80] =	vst v63  }
0x159: {  	p0 =	sne.s32 s28, $0x9  }
.Ltmp6:
0x15a: {  	s31 =	sadd.s32 s29, s8;
	(pc) =	sbr.rel @p0 .LBB2_2-.Ltmp6, $4  }
.Ltmp7:
0x15b: {  	s0 =	sshll.u32 s31, $0xB;
	(pc) =	sbr.rel @!p0 .LBB2_10-.Ltmp7, $4  }
0x15c: {  	s0 =	sand.u32 $0xFFFF800, s0  }
0x15d: {  	s0 =	sadd.s32 s3, s0  }
0x15e: {  	[hbm4b:s0+s4] =	stream.linear.scatter [tilespmem:s25], [sflag:$0x6], $0x4000, $0x38;
	[tilespmem:$0x18D80] =	vst v63  }
0x15f: {  	_ = 	snop  }
.LBB2_11:
0x160: {  	_ =	sfence.sel $0x180000  }
0x161: {  	[bflag:$0x0] =	sbarrier.arrive $0xFFFF  }
0x162: {  	_ =	strace $0x90000047  }
0x163: {  	s0 =	stileid.u32;
	[bflag:$0x2] =	sbarrier.arrive $0xFFFF  }
0x164: {  	p0 =	sne.s32 s0, $0x0;
	s0 =	rddreg [dreg:$0x3]  }
0x165: {  	s0 =	sadd.s32 @!p0 $0x100000, s0  }
0x166: {  	[sflag:s0] =	ssyncadd.tile.s32 @!p0 $0x1;
	_ =	shalt  }
.Lfunc_end2:
_tile_overlayer_lowered:
.L_overlay_start_2:
0x167: {  	(tag) =	ssettag $0x2  }
0x168: {  	s0 =	rddreg [dreg:$0x0];
	s2 =	stileid.u32  }
0x169: {  	s1 =	rddreg [dreg:$0x1];
	p0 =	sne.s32 s2, $0x0  }
0x16a: {  	s3 =	rddreg [dreg:$0x2];
	[bflag:$0x3] =	sbarrier.arrive $0xFFFF;
	s2 =	simm.s32 @!p0 $0x1C07  }
0x16b: {  	[timem:s3], [sflag:s2] =	dma.local @!p0 [hbm:s0], s1  }
0x16c: {  	s0 =	simm.s32 @!p0 $0x7  }
0x16d: {  	_ =	swait.ge @!p0 [sflag:s0], s1  }
0x16e: {  	s1 =	ssub.s32 @!p0 $0x0, s1;
	[sflag:s0] =	ssyncset.done @!p0 $0x0  }
0x16f: {  	[sflag:s0] =	ssyncadd.s32 @!p0 s1  }
0x170: {  	[bflag:$0x3] =	sbarrier.arrive $0xFFFF  }
0x171: {  	_ =	shalt  }

</sc_bundles>
